<compile_context>
chip_gen: v7x
topology: tpu7x:2x2x1
jax: 0.10.2.dev20260603
libtpu: 0.0.44.dev20260713+nightly
codegen_flags: <defaults>
</compile_context>

<pallas_src>
import functools

import jax
import jax.numpy as jnp
from jax import lax
from jax.experimental import pallas as pl
from jax.experimental.pallas import tpu as pltpu
from jax.experimental.pallas import tpu_sc as plsc

N = 100000
E = 1600000
D_IN, D_HID, D_OUT = 1433, 32, 7
HALF = 16

NC, NS = 2, 16
NT = NC * NS
C = 784
NB2 = 64
NB1 = 2 * NB2
EPT = C * NB2
EPT1 = C * NB1
E_PAD = NT * EPT
N_DEG = 100352
ZPT = 6256
N_ACC = NS * ZPT
DPT = N_DEG // NS

BN = 2048
GRID = (N + BN - 1) // BN

_mesh = plsc.VectorSubcoreMesh(
    core_axis_name="c", subcore_axis_name="s", num_cores=NC, num_subcores=NS)
_sc_params = pltpu.CompilerParams(
    needs_layout_passes=False, use_tc_tiling_on_sc=False)


@functools.partial(
    pl.kernel,
    out_type=jax.ShapeDtypeStruct((NC, N_DEG), jnp.float32),
    mesh=_mesh,
    compiler_params=_sc_params,
    scratch_types=[
        pltpu.VMEM((C,), jnp.int32),
        pltpu.VMEM((C,), jnp.int32),
        pltpu.VMEM((C,), jnp.float32),
        pltpu.VMEM_SHARED((N_DEG,), jnp.float32),
        pltpu.SemaphoreType.DMA,
    ],
)
def _deg_sc(dst_hbm, zdeg_hbm, out_hbm, didx_a, didx_b, ones_v, dacc_sh, sem):
    c = lax.axis_index("c")
    s = lax.axis_index("s")
    base = (c * NS + s) * EPT
    pltpu.sync_copy(zdeg_hbm.at[pl.ds(s * DPT, DPT)],
                    dacc_sh.at[pl.ds(s * DPT, DPT)])

    def wr(i, carry):
        ones_v[pl.ds(i * 16, 16)] = jnp.full((16,), 1.0, jnp.float32)
        return carry

    lax.fori_loop(0, C // 16, wr, None)
    plsc.subcore_barrier()

    pltpu.sync_copy(dst_hbm.at[pl.ds(base, C)], didx_a)

    def body(t, carry):
        def chunk(cur, nxt):
            cp = pltpu.async_copy(ones_v, dacc_sh.at[cur], sem, add=True)

            @pl.when(t < NB2 - 1)
            def _():
                pltpu.sync_copy(dst_hbm.at[pl.ds(base + (t + 1) * C, C)], nxt)
            cp.wait()

        @pl.when(lax.rem(t, 2) == 0)
        def _():
            chunk(didx_a, didx_b)

        @pl.when(lax.rem(t, 2) == 1)
        def _():
            chunk(didx_b, didx_a)
        return carry

    lax.fori_loop(0, NB2, body, None)
    plsc.subcore_barrier()
    pltpu.sync_copy(dacc_sh.at[pl.ds(s * DPT, DPT)],
                    out_hbm.at[c, pl.ds(s * DPT, DPT)])


def _edge_pass(table_a, table_b, src_hbm, dst_hbm,
               sidx_a, sidx_b, didx_a, didx_b, rows_a, rows_b,
               acc_sh, gsem, ssem, base, nb):

    def run(table):
        pltpu.sync_copy(src_hbm.at[pl.ds(base, C)], sidx_a)
        pltpu.sync_copy(dst_hbm.at[pl.ds(base, C)], didx_a)
        pltpu.async_copy(table.at[sidx_a], rows_a, gsem)

        def body(t, carry):
            def chunk(si_c, di_c, ro_c, si_n, di_n, ro_n):
                pltpu.make_async_copy(table.at[si_c], ro_c, gsem).wait()

                @pl.when(t >= 1)
                def _():
                    pltpu.make_async_copy(
                        ro_n, acc_sh.at[di_n], ssem).wait()

                @pl.when(t < nb - 1)
                def _():
                    nb_ = base + (t + 1) * C
                    pltpu.sync_copy(src_hbm.at[pl.ds(nb_, C)], si_n)
                    pltpu.sync_copy(dst_hbm.at[pl.ds(nb_, C)], di_n)
                    pltpu.async_copy(table.at[si_n], ro_n, gsem)
                pltpu.async_copy(ro_c, acc_sh.at[di_c], ssem, add=True)

            @pl.when(lax.rem(t, 2) == 0)
            def _():
                chunk(sidx_a, didx_a, rows_a, sidx_b, didx_b, rows_b)

            @pl.when(lax.rem(t, 2) == 1)
            def _():
                chunk(sidx_b, didx_b, rows_b, sidx_a, didx_a, rows_a)
            return carry

        lax.fori_loop(0, nb, body, None)
        pf = (nb - 1) % 2
        if pf == 0:
            pltpu.make_async_copy(rows_a, acc_sh.at[didx_a], ssem).wait()
        else:
            pltpu.make_async_copy(rows_b, acc_sh.at[didx_b], ssem).wait()

    if table_b is None:
        run(table_a)
    else:
        c = lax.axis_index("c")

        @pl.when(c == 0)
        def _():
            run(table_a)

        @pl.when(c == 1)
        def _():
            run(table_b)


_SC_SCRATCH = [
    pltpu.VMEM((C,), jnp.int32),
    pltpu.VMEM((C,), jnp.int32),
    pltpu.VMEM((C,), jnp.int32),
    pltpu.VMEM((C,), jnp.int32),
    pltpu.VMEM((C, HALF), jnp.float32),
    pltpu.VMEM((C, HALF), jnp.float32),
    pltpu.VMEM_SHARED((N_ACC, HALF), jnp.float32),
    pltpu.SemaphoreType.DMA,
    pltpu.SemaphoreType.DMA,
]


def _zero_acc(zrows_hbm, acc_sh, s):
    pltpu.sync_copy(zrows_hbm, acc_sh.at[pl.ds(s * ZPT, ZPT)])
    plsc.subcore_barrier()


def _write_acc(out_hbm, acc_sh, c, s):
    plsc.subcore_barrier()

    @pl.when(s < NS - 1)
    def _():
        pltpu.sync_copy(acc_sh.at[pl.ds(s * ZPT, ZPT)],
                        out_hbm.at[c, pl.ds(s * ZPT, ZPT)])

    @pl.when(s == NS - 1)
    def _():
        tail = N - (NS - 1) * ZPT
        pltpu.sync_copy(acc_sh.at[pl.ds((NS - 1) * ZPT, tail)],
                        out_hbm.at[c, pl.ds((NS - 1) * ZPT, tail)])


@functools.partial(
    pl.kernel,
    out_type=jax.ShapeDtypeStruct((NC, N, HALF), jnp.float32),
    mesh=_mesh,
    compiler_params=_sc_params,
    scratch_types=_SC_SCRATCH,
)
def _gcn1_sc(ta_hbm, tb_hbm, src_hbm, dst_hbm, zrows_hbm, out_hbm,
             sidx_a, sidx_b, didx_a, didx_b, rows_a, rows_b,
             acc_sh, gsem, ssem):
    c = lax.axis_index("c")
    s = lax.axis_index("s")
    _zero_acc(zrows_hbm, acc_sh, s)
    _edge_pass(ta_hbm, tb_hbm, src_hbm, dst_hbm,
               sidx_a, sidx_b, didx_a, didx_b, rows_a, rows_b,
               acc_sh, gsem, ssem, s * EPT1, NB1)
    _write_acc(out_hbm, acc_sh, c, s)


@functools.partial(
    pl.kernel,
    out_type=jax.ShapeDtypeStruct((NC, N, HALF), jnp.float32),
    mesh=_mesh,
    compiler_params=_sc_params,
    scratch_types=_SC_SCRATCH,
)
def _gcn2_sc(t_hbm, src_hbm, dst_hbm, zrows_hbm, out_hbm,
             sidx_a, sidx_b, didx_a, didx_b, rows_a, rows_b,
             acc_sh, gsem, ssem):
    c = lax.axis_index("c")
    s = lax.axis_index("s")
    _zero_acc(zrows_hbm, acc_sh, s)
    _edge_pass(t_hbm, None, src_hbm, dst_hbm,
               sidx_a, sidx_b, didx_a, didx_b, rows_a, rows_b,
               acc_sh, gsem, ssem, (c * NS + s) * EPT, NB2)
    _write_acc(out_hbm, acc_sh, c, s)


def _dinv_body(degp_ref, dinv_ref):
    deg = jnp.sum(degp_ref[...], axis=0, keepdims=True) + 1.0
    dinv_ref[...] = lax.rsqrt(deg)


def _k1_body(xt_ref, w1_ref, dinv_ref, g1a_ref, g1b_ref):
    xtb = xt_ref[...].astype(jnp.bfloat16)
    wb = w1_ref[...].astype(jnp.bfloat16)
    h = lax.dot_general(xtb, wb, (((0,), (0,)), ((), ())),
                        preferred_element_type=jnp.float32)
    g = h * dinv_ref[...]
    g1a_ref[...] = g[:, :HALF]
    g1b_ref[...] = g[:, HALF:]


def _k2_body(g1a_ref, g1b_ref, acc1_ref, dinv_ref, w2p_ref, b1_ref, g2_ref):
    dinv = dinv_ref[...]
    b1 = b1_ref[...]
    oa = (acc1_ref[0] + g1a_ref[...]) * dinv + b1[:, :HALF]
    ob = (acc1_ref[1] + g1b_ref[...]) * dinv + b1[:, HALF:]
    oa = jnp.maximum(oa, 0.0).astype(jnp.bfloat16)
    ob = jnp.maximum(ob, 0.0).astype(jnp.bfloat16)
    w2 = w2p_ref[...].astype(jnp.bfloat16)
    dn = (((1,), (0,)), ((), ()))
    h2 = (lax.dot_general(oa, w2[:HALF, :], dn,
                          preferred_element_type=jnp.float32) +
          lax.dot_general(ob, w2[HALF:, :], dn,
                          preferred_element_type=jnp.float32))
    g2_ref[...] = h2 * dinv


def _k3_body(g2_ref, p2_ref, dinv_ref, b2_ref, out_ref):
    t = (p2_ref[0] + p2_ref[1] + g2_ref[...]) * dinv_ref[...]
    res = t[:, :D_OUT] + b2_ref[...]
    out_ref[...] = jnp.transpose(res)


def kernel(x, edge_index, W1, b1, W2, b2):
    f32 = jnp.float32
    src = edge_index[0]
    dst = edge_index[1]
    pad = E_PAD - E
    src_p = jnp.concatenate([src, jnp.zeros((pad,), jnp.int32)])
    dst_p = jnp.concatenate([dst, jnp.full((pad,), N, jnp.int32)])
    zdeg = jnp.zeros((N_DEG,), f32)
    zrows = jnp.zeros((ZPT, HALF), f32)
    w2p = jnp.zeros((D_HID, HALF), f32).at[:, :D_OUT].set(W2)
    b1r = b1.reshape(1, D_HID)
    b2r = b2.reshape(1, D_OUT)
    xt = x.T

    degp = _deg_sc(dst_p, zdeg)

    dinv_flat = pl.pallas_call(
        _dinv_body,
        out_shape=jax.ShapeDtypeStruct((1, N_DEG), f32),
    )(degp)
    dinv = dinv_flat[0, :N].reshape(N, 1)

    g1a, g1b = pl.pallas_call(
        _k1_body,
        grid=(GRID,),
        in_specs=[
            pl.BlockSpec((D_IN, BN), lambda i: (0, i)),
            pl.BlockSpec((D_IN, D_HID), lambda i: (0, 0)),
            pl.BlockSpec((BN, 1), lambda i: (i, 0)),
        ],
        out_specs=[
            pl.BlockSpec((BN, HALF), lambda i: (i, 0)),
            pl.BlockSpec((BN, HALF), lambda i: (i, 0)),
        ],
        out_shape=[
            jax.ShapeDtypeStruct((N, HALF), f32),
            jax.ShapeDtypeStruct((N, HALF), f32),
        ],
    )(xt, W1, dinv)

    acc1 = _gcn1_sc(g1a, g1b, src_p, dst_p, zrows)

    g2 = pl.pallas_call(
        _k2_body,
        grid=(GRID,),
        in_specs=[
            pl.BlockSpec((BN, HALF), lambda i: (i, 0)),
            pl.BlockSpec((BN, HALF), lambda i: (i, 0)),
            pl.BlockSpec((NC, BN, HALF), lambda i: (0, i, 0)),
            pl.BlockSpec((BN, 1), lambda i: (i, 0)),
            pl.BlockSpec((D_HID, HALF), lambda i: (0, 0)),
            pl.BlockSpec((1, D_HID), lambda i: (0, 0)),
        ],
        out_specs=pl.BlockSpec((BN, HALF), lambda i: (i, 0)),
        out_shape=jax.ShapeDtypeStruct((N, HALF), f32),
    )(g1a, g1b, acc1, dinv, w2p, b1r)

    p2 = _gcn2_sc(g2, src_p, dst_p, zrows)

    out_t = pl.pallas_call(
        _k3_body,
        grid=(GRID,),
        in_specs=[
            pl.BlockSpec((BN, HALF), lambda i: (i, 0)),
            pl.BlockSpec((NC, BN, HALF), lambda i: (0, i, 0)),
            pl.BlockSpec((BN, 1), lambda i: (i, 0)),
            pl.BlockSpec((1, D_OUT), lambda i: (0, 0)),
        ],
        out_specs=pl.BlockSpec((D_OUT, BN), lambda i: (0, i)),
        out_shape=jax.ShapeDtypeStruct((D_OUT, N), f32),
    )(g2, p2, dinv, b2r)
    return out_t.T

# --- scband reference (transcript-rebuilt; emitter-appended) ---
"""Pipeline reference for scband-gcn-80693845557263 (READ-ONLY COPY).

The authoritative reference and input builder live on the scoring server;
editing this copy changes nothing except your own understanding.
"""

import jax, jax.numpy as jnp
import numpy as np

N = 100000
E = 1600000
D_IN, D_HID, D_OUT = 1433, 32, 7


def setup_inputs(seed: int = 0) -> dict:
    key = jax.random.key(seed)
    k1, k2, k3, k4, k5, k6 = jax.random.split(key, 6)
    x = jax.random.normal(k1, (N, D_IN), dtype=jnp.float32)
    edge_index = jax.random.randint(k2, (2, E), 0, N, dtype=jnp.int32)
    W1 = jax.random.normal(k3, (D_IN, D_HID), dtype=jnp.float32) * (1.0 / np.sqrt(D_IN))
    b1 = jnp.zeros((D_HID,), dtype=jnp.float32)
    W2 = jax.random.normal(k4, (D_HID, D_OUT), dtype=jnp.float32) * (1.0 / np.sqrt(D_HID))
    b2 = jnp.zeros((D_OUT,), dtype=jnp.float32)
    return {"x": x, "edge_index": edge_index, "W1": W1, "b1": b1, "W2": W2, "b2": b2}


def _gcn_conv(x, edge_index, W, b):
    # GCNConv: symmetric-normalized propagation with self-loops.
    src = edge_index[0]
    dst = edge_index[1]
    loop = jnp.arange(N, dtype=src.dtype)
    src = jnp.concatenate([src, loop])
    dst = jnp.concatenate([dst, loop])
    h = x @ W  # linear transform first (as in PyG GCNConv)
    deg = jax.ops.segment_sum(jnp.ones(src.shape[0], dtype=h.dtype), dst, num_segments=N)
    dinv = jnp.where(deg > 0, jax.lax.rsqrt(jnp.maximum(deg, 1e-12)), 0.0)
    norm = dinv[src] * dinv[dst]
    msg = h[src] * norm[:, None]
    out = jax.ops.segment_sum(msg, dst, num_segments=N)
    return out + b


def reference(x, edge_index, W1, b1, W2, b2):
    h = jax.nn.relu(_gcn_conv(x, edge_index, W1, b1))
    return _gcn_conv(h, edge_index, W2, b2)

if __name__ == "__main__":
    import jax
    _d = setup_inputs()
    print(jax.jit(kernel)(*tuple(_d.values())))

</pallas_src>

<mosaic_0001>
#map = affine_map<(d0, d1) -> (0)>
#map1 = affine_map<(d0, d1) -> (0, 0)>
module attributes {stable_mosaic.version = 14 : i64} {
  func.func @_deg_sc(%arg0: i32, %arg1: i32, %arg2: memref<1605632xi32, #tpu.memory_space<hbm>>, %arg3: memref<100352xf32, #tpu.memory_space<hbm>>, %arg4: memref<2x100352xf32, #tpu.memory_space<hbm>>, %arg5: memref<784xi32, #tpu.memory_space<vmem>>, %arg6: memref<784xi32, #tpu.memory_space<vmem>>, %arg7: memref<784xf32, #tpu.memory_space<vmem>>, %arg8: memref<100352xf32, #tpu.memory_space<vmem_shared>>, %arg9: memref<!tpu.dma_semaphore, #tpu.memory_space<semaphore_mem>>) attributes {dimension_semantics = [#tpu.dimension_semantics<core_parallel>, #tpu.dimension_semantics<subcore_parallel>], iteration_bounds = array<i64: 2, 16>, scalar_prefetch = 0 : i64, scratch_operands = 5 : i64, tpu.core_type = #tpu.core_type<sc_vector_subcore>, window_params = [{transform_indices = #map}, {transform_indices = #map}, {transform_indices = #map1}]} {
    %mul3A = arith.constant 16 : i32
    %mul3A_0 = arith.muli %arg0, %mul3A : i32
    %add3A = arith.addi %mul3A_0, %arg1 : i32
    %mul3A_1 = arith.constant 50176 : i32
    %mul3A_2 = arith.muli %add3A, %mul3A_1 : i32
    %mul3A_3 = arith.constant 6272 : i32
    %mul3A_4 = arith.muli %arg1, %mul3A_3 : i32
    %mul3A_5 = arith.constant 6272 : i32
    %mul3A_6 = arith.muli %arg1, %mul3A_5 : i32
    "tpu.region"() ({
      %run_scoped3A = tpu.sem_alloc : memref<!tpu.dma_semaphore, #tpu.memory_space<semaphore_mem>>
      %dma_start3A = tpu.memref_slice %arg8[%mul3A_6] : memref<100352xf32, #tpu.memory_space<vmem_shared>> -> memref<6272xf32, #tpu.memory_space<vmem_shared>>
      %dma_start3A_21 = tpu.memref_slice %arg3[%mul3A_4] : memref<100352xf32, #tpu.memory_space<hbm>> -> memref<6272xf32, #tpu.memory_space<hbm>>
      tpu.enqueue_dma source(%dma_start3A_21 : memref<6272xf32, #tpu.memory_space<hbm>>) target(%dma_start3A : memref<6272xf32, #tpu.memory_space<vmem_shared>>) target_semaphore(%run_scoped3A : memref<!tpu.dma_semaphore, #tpu.memory_space<semaphore_mem>>)
      %dma_wait3A = tpu.memref_slice %arg8[%mul3A_6] : memref<100352xf32, #tpu.memory_space<vmem_shared>> -> memref<6272xf32, #tpu.memory_space<vmem_shared>>
      %dma_wait3A_22 = tpu.memref_slice %arg3[%mul3A_4] : memref<100352xf32, #tpu.memory_space<hbm>> -> memref<6272xf32, #tpu.memory_space<hbm>>
      tpu.wait_dma2 semaphore(%run_scoped3A : memref<!tpu.dma_semaphore, #tpu.memory_space<semaphore_mem>>) src(%dma_wait3A_22 : memref<6272xf32, #tpu.memory_space<hbm>>) dst(%dma_wait3A : memref<6272xf32, #tpu.memory_space<vmem_shared>>)
      tpu.yield
    }) : () -> ()
    %scan3A = arith.constant 0 : i32
    %scan3A_7 = arith.constant 49 : i32
    %scan3A_8 = arith.addi %scan3A, %scan3A_7 : i32
    %scan3A_9 = arith.constant 1 : i32
    scf.for %scan3A_21 = %scan3A to %scan3A_8 step %scan3A_9  : i32 {
      %broadcast_in_dim3A = arith.constant 1.000000e+00 : f32
      %broadcast_in_dim3A_22 = vector.broadcast %broadcast_in_dim3A : f32 to vector<16xf32>
      %mul3A_23 = arith.constant 16 : i32
      %mul3A_24 = arith.muli %scan3A_21, %mul3A_23 : i32
      %swap3A = arith.index_cast %mul3A_24 : i32 to index
      %swap3A_25 = tpu.vector_load %arg7[%swap3A] {strides = array<i32>} : memref<784xf32, #tpu.memory_space<vmem>>, vector<16xf32>,
      tpu.vector_store %arg7[%swap3A], %broadcast_in_dim3A_22 {strides = array<i32>} : memref<784xf32, #tpu.memory_space<vmem>>, vector<16xf32>,
    }
    %scan3A_10 = arith.constant 49 : i32
    %barrier3A = arith.constant 0 : index
    tpu.barrier barrier_id(%barrier3A)
    "tpu.region"() ({
      %run_scoped3A = tpu.sem_alloc : memref<!tpu.dma_semaphore, #tpu.memory_space<semaphore_mem>>
      %dma_start3A = tpu.memref_slice %arg2[%mul3A_2] : memref<1605632xi32, #tpu.memory_space<hbm>> -> memref<784xi32, #tpu.memory_space<hbm>>
      %dma_start3A_21 = tpu.memref_slice %arg2[%mul3A_2] : memref<1605632xi32, #tpu.memory_space<hbm>> -> memref<784xi32, #tpu.memory_space<hbm>>
      tpu.enqueue_dma source(%dma_start3A_21 : memref<784xi32, #tpu.memory_space<hbm>>) target(%arg5 : memref<784xi32, #tpu.memory_space<vmem>>) target_semaphore(%run_scoped3A : memref<!tpu.dma_semaphore, #tpu.memory_space<semaphore_mem>>)
      %dma_wait3A = tpu.memref_slice %arg2[%mul3A_2] : memref<1605632xi32, #tpu.memory_space<hbm>> -> memref<784xi32, #tpu.memory_space<hbm>>
      %dma_wait3A_22 = tpu.memref_slice %arg2[%mul3A_2] : memref<1605632xi32, #tpu.memory_space<hbm>> -> memref<784xi32, #tpu.memory_space<hbm>>
      tpu.wait_dma2 semaphore(%run_scoped3A : memref<!tpu.dma_semaphore, #tpu.memory_space<semaphore_mem>>) src(%dma_wait3A_22 : memref<784xi32, #tpu.memory_space<hbm>>) dst(%arg5 : memref<784xi32, #tpu.memory_space<vmem>>)
      tpu.yield
    }) : () -> ()
    %scan3A_11 = arith.constant 0 : i32
    %scan3A_12 = arith.constant 64 : i32
    %scan3A_13 = arith.addi %scan3A_11, %scan3A_12 : i32
    %scan3A_14 = arith.constant 1 : i32
    scf.for %scan3A_21 = %scan3A_11 to %scan3A_13 step %scan3A_14  : i32 {
      %rem3A = arith.constant 2 : i32
      %rem3A_22 = arith.remsi %scan3A_21, %rem3A : i32
      %eq3A = arith.constant 0 : i32
      %eq3A_23 = arith.cmpi eq, %rem3A_22, %eq3A : i32
      %convert_element_type3A = arith.extui %eq3A_23 : i1 to i32
      %cond3A = arith.constant 0 : i32
      %cond3A_24 = arith.cmpi ne, %convert_element_type3A, %cond3A : i32
      scf.if %cond3A_24 {
        %dma_start3A = arith.constant 0 : i32
        %dma_start3A_32 = tpu.memref_slice %arg8[%dma_start3A] : memref<100352xf32, #tpu.memory_space<vmem_shared>> -> memref<100352xf32, #tpu.memory_space<vmem_shared>>
        tpu.enqueue_indirect_dma source(%arg7 : memref<784xf32, #tpu.memory_space<vmem>>) target(%dma_start3A_32 : memref<100352xf32, #tpu.memory_space<vmem_shared>>) offsets(%arg5 : memref<784xi32, #tpu.memory_space<vmem>>) semaphore(%arg9 : memref<!tpu.dma_semaphore, #tpu.memory_space<semaphore_mem>>) {add = true}
        %lt3A = arith.constant 63 : i32
        %lt3A_33 = arith.cmpi slt, %scan3A_21, %lt3A : i32
        %convert_element_type3A_34 = arith.extui %lt3A_33 : i1 to i32
        %cond3A_35 = arith.constant 0 : i32
        %cond3A_36 = arith.cmpi ne, %convert_element_type3A_34, %cond3A_35 : i32
        scf.if %cond3A_36 {
          %add3A_38 = arith.constant 1 : i32
          %add3A_39 = arith.addi %scan3A_21, %add3A_38 : i32
          %mul3A_40 = arith.constant 784 : i32
          %mul3A_41 = arith.muli %add3A_39, %mul3A_40 : i32
          %add3A_42 = arith.addi %mul3A_2, %mul3A_41 : i32
          "tpu.region"() ({
            %run_scoped3A = tpu.sem_alloc : memref<!tpu.dma_semaphore, #tpu.memory_space<semaphore_mem>>
            %dma_start3A_43 = tpu.memref_slice %arg2[%add3A_42] : memref<1605632xi32, #tpu.memory_space<hbm>> -> memref<784xi32, #tpu.memory_space<hbm>>
            %dma_start3A_44 = tpu.memref_slice %arg2[%add3A_42] : memref<1605632xi32, #tpu.memory_space<hbm>> -> memref<784xi32, #tpu.memory_space<hbm>>
            tpu.enqueue_dma source(%dma_start3A_44 : memref<784xi32, #tpu.memory_space<hbm>>) target(%arg6 : memref<784xi32, #tpu.memory_space<vmem>>) target_semaphore(%run_scoped3A : memref<!tpu.dma_semaphore, #tpu.memory_space<semaphore_mem>>)
            %dma_wait3A_45 = tpu.memref_slice %arg2[%add3A_42] : memref<1605632xi32, #tpu.memory_space<hbm>> -> memref<784xi32, #tpu.memory_space<hbm>>
            %dma_wait3A_46 = tpu.memref_slice %arg2[%add3A_42] : memref<1605632xi32, #tpu.memory_space<hbm>> -> memref<784xi32, #tpu.memory_space<hbm>>
            tpu.wait_dma2 semaphore(%run_scoped3A : memref<!tpu.dma_semaphore, #tpu.memory_space<semaphore_mem>>) src(%dma_wait3A_46 : memref<784xi32, #tpu.memory_space<hbm>>) dst(%arg6 : memref<784xi32, #tpu.memory_space<vmem>>)
            tpu.yield
          }) : () -> ()
        } else {
        }
        %dma_wait3A = arith.constant 0 : i32
        %dma_wait3A_37 = tpu.memref_slice %arg8[%dma_wait3A] : memref<100352xf32, #tpu.memory_space<vmem_shared>> -> memref<100352xf32, #tpu.memory_space<vmem_shared>>
        tpu.wait_indirect_dma semaphore(%arg9 : memref<!tpu.dma_semaphore, #tpu.memory_space<semaphore_mem>>) src(%arg7 : memref<784xf32, #tpu.memory_space<vmem>>) dst(%dma_wait3A_37 : memref<100352xf32, #tpu.memory_space<vmem_shared>>)
      } else {
      }
      %rem3A_25 = arith.constant 2 : i32
      %rem3A_26 = arith.remsi %scan3A_21, %rem3A_25 : i32
      %eq3A_27 = arith.constant 1 : i32
      %eq3A_28 = arith.cmpi eq, %rem3A_26, %eq3A_27 : i32
      %convert_element_type3A_29 = arith.extui %eq3A_28 : i1 to i32
      %cond3A_30 = arith.constant 0 : i32
      %cond3A_31 = arith.cmpi ne, %convert_element_type3A_29, %cond3A_30 : i32
      scf.if %cond3A_31 {
        %dma_start3A = arith.constant 0 : i32
        %dma_start3A_32 = tpu.memref_slice %arg8[%dma_start3A] : memref<100352xf32, #tpu.memory_space<vmem_shared>> -> memref<100352xf32, #tpu.memory_space<vmem_shared>>
        tpu.enqueue_indirect_dma source(%arg7 : memref<784xf32, #tpu.memory_space<vmem>>) target(%dma_start3A_32 : memref<100352xf32, #tpu.memory_space<vmem_shared>>) offsets(%arg6 : memref<784xi32, #tpu.memory_space<vmem>>) semaphore(%arg9 : memref<!tpu.dma_semaphore, #tpu.memory_space<semaphore_mem>>) {add = true}
        %lt3A = arith.constant 63 : i32
        %lt3A_33 = arith.cmpi slt, %scan3A_21, %lt3A : i32
        %convert_element_type3A_34 = arith.extui %lt3A_33 : i1 to i32
        %cond3A_35 = arith.constant 0 : i32
        %cond3A_36 = arith.cmpi ne, %convert_element_type3A_34, %cond3A_35 : i32
        scf.if %cond3A_36 {
          %add3A_38 = arith.constant 1 : i32
          %add3A_39 = arith.addi %scan3A_21, %add3A_38 : i32
          %mul3A_40 = arith.constant 784 : i32
          %mul3A_41 = arith.muli %add3A_39, %mul3A_40 : i32
          %add3A_42 = arith.addi %mul3A_2, %mul3A_41 : i32
          "tpu.region"() ({
            %run_scoped3A = tpu.sem_alloc : memref<!tpu.dma_semaphore, #tpu.memory_space<semaphore_mem>>
            %dma_start3A_43 = tpu.memref_slice %arg2[%add3A_42] : memref<1605632xi32, #tpu.memory_space<hbm>> -> memref<784xi32, #tpu.memory_space<hbm>>
            %dma_start3A_44 = tpu.memref_slice %arg2[%add3A_42] : memref<1605632xi32, #tpu.memory_space<hbm>> -> memref<784xi32, #tpu.memory_space<hbm>>
            tpu.enqueue_dma source(%dma_start3A_44 : memref<784xi32, #tpu.memory_space<hbm>>) target(%arg5 : memref<784xi32, #tpu.memory_space<vmem>>) target_semaphore(%run_scoped3A : memref<!tpu.dma_semaphore, #tpu.memory_space<semaphore_mem>>)
            %dma_wait3A_45 = tpu.memref_slice %arg2[%add3A_42] : memref<1605632xi32, #tpu.memory_space<hbm>> -> memref<784xi32, #tpu.memory_space<hbm>>
            %dma_wait3A_46 = tpu.memref_slice %arg2[%add3A_42] : memref<1605632xi32, #tpu.memory_space<hbm>> -> memref<784xi32, #tpu.memory_space<hbm>>
            tpu.wait_dma2 semaphore(%run_scoped3A : memref<!tpu.dma_semaphore, #tpu.memory_space<semaphore_mem>>) src(%dma_wait3A_46 : memref<784xi32, #tpu.memory_space<hbm>>) dst(%arg5 : memref<784xi32, #tpu.memory_space<vmem>>)
            tpu.yield
          }) : () -> ()
        } else {
        }
        %dma_wait3A = arith.constant 0 : i32
        %dma_wait3A_37 = tpu.memref_slice %arg8[%dma_wait3A] : memref<100352xf32, #tpu.memory_space<vmem_shared>> -> memref<100352xf32, #tpu.memory_space<vmem_shared>>
        tpu.wait_indirect_dma semaphore(%arg9 : memref<!tpu.dma_semaphore, #tpu.memory_space<semaphore_mem>>) src(%arg7 : memref<784xf32, #tpu.memory_space<vmem>>) dst(%dma_wait3A_37 : memref<100352xf32, #tpu.memory_space<vmem_shared>>)
      } else {
      }
    }
    %scan3A_15 = arith.constant 64 : i32
    %barrier3A_16 = arith.constant 0 : index
    tpu.barrier barrier_id(%barrier3A_16)
    %mul3A_17 = arith.constant 6272 : i32
    %mul3A_18 = arith.muli %arg1, %mul3A_17 : i32
    %mul3A_19 = arith.constant 6272 : i32
    %mul3A_20 = arith.muli %arg1, %mul3A_19 : i32
    "tpu.region"() ({
      %run_scoped3A = tpu.sem_alloc : memref<!tpu.dma_semaphore, #tpu.memory_space<semaphore_mem>>
      %dma_start3A = tpu.memref_slice %arg4[%arg0, %mul3A_20] : memref<2x100352xf32, #tpu.memory_space<hbm>> -> memref<1x6272xf32, #tpu.memory_space<hbm>>
      %dma_start3A_21 = tpu.memref_squeeze %dma_start3A : memref<1x6272xf32, #tpu.memory_space<hbm>> -> memref<6272xf32, #tpu.memory_space<hbm>>
      %dma_start3A_22 = tpu.memref_slice %arg8[%mul3A_18] : memref<100352xf32, #tpu.memory_space<vmem_shared>> -> memref<6272xf32, #tpu.memory_space<vmem_shared>>
      tpu.enqueue_dma source(%dma_start3A_22 : memref<6272xf32, #tpu.memory_space<vmem_shared>>) target(%dma_start3A_21 : memref<6272xf32, #tpu.memory_space<hbm>>) target_semaphore(%run_scoped3A : memref<!tpu.dma_semaphore, #tpu.memory_space<semaphore_mem>>)
      %dma_wait3A = tpu.memref_slice %arg4[%arg0, %mul3A_20] : memref<2x100352xf32, #tpu.memory_space<hbm>> -> memref<1x6272xf32, #tpu.memory_space<hbm>>
      %dma_wait3A_23 = tpu.memref_squeeze %dma_wait3A : memref<1x6272xf32, #tpu.memory_space<hbm>> -> memref<6272xf32, #tpu.memory_space<hbm>>
      %dma_wait3A_24 = tpu.memref_slice %arg8[%mul3A_18] : memref<100352xf32, #tpu.memory_space<vmem_shared>> -> memref<6272xf32, #tpu.memory_space<vmem_shared>>
      tpu.wait_dma2 semaphore(%run_scoped3A : memref<!tpu.dma_semaphore, #tpu.memory_space<semaphore_mem>>) src(%dma_wait3A_24 : memref<6272xf32, #tpu.memory_space<vmem_shared>>) dst(%dma_wait3A_23 : memref<6272xf32, #tpu.memory_space<hbm>>)
      tpu.yield
    }) : () -> ()
    return
  }
}

#map = affine_map<(d0, d1) -> (0, 0)>
#map1 = affine_map<(d0, d1) -> (0)>
#map2 = affine_map<(d0, d1) -> (0, 0, 0)>
module attributes {stable_mosaic.version = 14 : i64} {
  func.func @_gcn1_sc(%arg0: i32, %arg1: i32, %arg2: memref<100000x16xf32, #tpu.memory_space<hbm>>, %arg3: memref<100000x16xf32, #tpu.memory_space<hbm>>, %arg4: memref<1605632xi32, #tpu.memory_space<hbm>>, %arg5: memref<1605632xi32, #tpu.memory_space<hbm>>, %arg6: memref<6256x16xf32, #tpu.memory_space<hbm>>, %arg7: memref<2x100000x16xf32, #tpu.memory_space<hbm>>, %arg8: memref<784xi32, #tpu.memory_space<vmem>>, %arg9: memref<784xi32, #tpu.memory_space<vmem>>, %arg10: memref<784xi32, #tpu.memory_space<vmem>>, %arg11: memref<784xi32, #tpu.memory_space<vmem>>, %arg12: memref<784x16xf32, #tpu.memory_space<vmem>>, %arg13: memref<784x16xf32, #tpu.memory_space<vmem>>, %arg14: memref<100096x16xf32, #tpu.memory_space<vmem_shared>>, %arg15: memref<!tpu.dma_semaphore, #tpu.memory_space<semaphore_mem>>, %arg16: memref<!tpu.dma_semaphore, #tpu.memory_space<semaphore_mem>>) attributes {dimension_semantics = [#tpu.dimension_semantics<core_parallel>, #tpu.dimension_semantics<subcore_parallel>], iteration_bounds = array<i64: 2, 16>, scalar_prefetch = 0 : i64, scratch_operands = 9 : i64, tpu.core_type = #tpu.core_type<sc_vector_subcore>, window_params = [{transform_indices = #map}, {transform_indices = #map}, {transform_indices = #map1}, {transform_indices = #map1}, {transform_indices = #map}, {transform_indices = #map2}]} {
    %mul3A = arith.constant 6256 : i32
    %mul3A_0 = arith.muli %arg1, %mul3A : i32
    "tpu.region"() ({
      %run_scoped3A = tpu.sem_alloc : memref<!tpu.dma_semaphore, #tpu.memory_space<semaphore_mem>>
      %dma_start3A = arith.constant 0 : i32
      %dma_start3A_20 = tpu.memref_slice %arg14[%mul3A_0, %dma_start3A] : memref<100096x16xf32, #tpu.memory_space<vmem_shared>> -> memref<6256x16xf32, #tpu.memory_space<vmem_shared>>
      tpu.enqueue_dma source(%arg6 : memref<6256x16xf32, #tpu.memory_space<hbm>>) target(%dma_start3A_20 : memref<6256x16xf32, #tpu.memory_space<vmem_shared>>) target_semaphore(%run_scoped3A : memref<!tpu.dma_semaphore, #tpu.memory_space<semaphore_mem>>)
      %dma_wait3A = arith.constant 0 : i32
      %dma_wait3A_21 = tpu.memref_slice %arg14[%mul3A_0, %dma_wait3A] : memref<100096x16xf32, #tpu.memory_space<vmem_shared>> -> memref<6256x16xf32, #tpu.memory_space<vmem_shared>>
      tpu.wait_dma2 semaphore(%run_scoped3A : memref<!tpu.dma_semaphore, #tpu.memory_space<semaphore_mem>>) src(%arg6 : memref<6256x16xf32, #tpu.memory_space<hbm>>) dst(%dma_wait3A_21 : memref<6256x16xf32, #tpu.memory_space<vmem_shared>>)
      tpu.yield
    }) : () -> ()
    %barrier3A = arith.constant 0 : index
    tpu.barrier barrier_id(%barrier3A)
    %mul3A_1 = arith.constant 100352 : i32
    %mul3A_2 = arith.muli %arg1, %mul3A_1 : i32
    %eq3A = arith.constant 0 : i32
    %eq3A_3 = arith.cmpi eq, %arg0, %eq3A : i32
    %convert_element_type3A = arith.extui %eq3A_3 : i1 to i32
    %cond3A = arith.constant 0 : i32
    %cond3A_4 = arith.cmpi ne, %convert_element_type3A, %cond3A : i32
    scf.if %cond3A_4 {
      "tpu.region"() ({
        %run_scoped3A = tpu.sem_alloc : memref<!tpu.dma_semaphore, #tpu.memory_space<semaphore_mem>>
        %dma_start3A_28 = tpu.memref_slice %arg4[%mul3A_2] : memref<1605632xi32, #tpu.memory_space<hbm>> -> memref<784xi32, #tpu.memory_space<hbm>>
        %dma_start3A_29 = tpu.memref_slice %arg4[%mul3A_2] : memref<1605632xi32, #tpu.memory_space<hbm>> -> memref<784xi32, #tpu.memory_space<hbm>>
        tpu.enqueue_dma source(%dma_start3A_29 : memref<784xi32, #tpu.memory_space<hbm>>) target(%arg8 : memref<784xi32, #tpu.memory_space<vmem>>) target_semaphore(%run_scoped3A : memref<!tpu.dma_semaphore, #tpu.memory_space<semaphore_mem>>)
        %dma_wait3A_30 = tpu.memref_slice %arg4[%mul3A_2] : memref<1605632xi32, #tpu.memory_space<hbm>> -> memref<784xi32, #tpu.memory_space<hbm>>
        %dma_wait3A_31 = tpu.memref_slice %arg4[%mul3A_2] : memref<1605632xi32, #tpu.memory_space<hbm>> -> memref<784xi32, #tpu.memory_space<hbm>>
        tpu.wait_dma2 semaphore(%run_scoped3A : memref<!tpu.dma_semaphore, #tpu.memory_space<semaphore_mem>>) src(%dma_wait3A_31 : memref<784xi32, #tpu.memory_space<hbm>>) dst(%arg8 : memref<784xi32, #tpu.memory_space<vmem>>)
        tpu.yield
      }) : () -> ()
      "tpu.region"() ({
        %run_scoped3A = tpu.sem_alloc : memref<!tpu.dma_semaphore, #tpu.memory_space<semaphore_mem>>
        %dma_start3A_28 = tpu.memref_slice %arg5[%mul3A_2] : memref<1605632xi32, #tpu.memory_space<hbm>> -> memref<784xi32, #tpu.memory_space<hbm>>
        %dma_start3A_29 = tpu.memref_slice %arg5[%mul3A_2] : memref<1605632xi32, #tpu.memory_space<hbm>> -> memref<784xi32, #tpu.memory_space<hbm>>
        tpu.enqueue_dma source(%dma_start3A_29 : memref<784xi32, #tpu.memory_space<hbm>>) target(%arg10 : memref<784xi32, #tpu.memory_space<vmem>>) target_semaphore(%run_scoped3A : memref<!tpu.dma_semaphore, #tpu.memory_space<semaphore_mem>>)
        %dma_wait3A_30 = tpu.memref_slice %arg5[%mul3A_2] : memref<1605632xi32, #tpu.memory_space<hbm>> -> memref<784xi32, #tpu.memory_space<hbm>>
        %dma_wait3A_31 = tpu.memref_slice %arg5[%mul3A_2] : memref<1605632xi32, #tpu.memory_space<hbm>> -> memref<784xi32, #tpu.memory_space<hbm>>
        tpu.wait_dma2 semaphore(%run_scoped3A : memref<!tpu.dma_semaphore, #tpu.memory_space<semaphore_mem>>) src(%dma_wait3A_31 : memref<784xi32, #tpu.memory_space<hbm>>) dst(%arg10 : memref<784xi32, #tpu.memory_space<vmem>>)
        tpu.yield
      }) : () -> ()
      %dma_start3A = arith.constant 0 : i32
      %dma_start3A_20 = arith.constant 0 : i32
      %dma_start3A_21 = tpu.memref_slice %arg2[%dma_start3A, %dma_start3A_20] : memref<100000x16xf32, #tpu.memory_space<hbm>> -> memref<100000x16xf32, #tpu.memory_space<hbm>>
      tpu.enqueue_indirect_dma source(%dma_start3A_21 : memref<100000x16xf32, #tpu.memory_space<hbm>>) target(%arg12 : memref<784x16xf32, #tpu.memory_space<vmem>>) offsets(%arg8 : memref<784xi32, #tpu.memory_space<vmem>>) semaphore(%arg15 : memref<!tpu.dma_semaphore, #tpu.memory_space<semaphore_mem>>)
      %scan3A = arith.constant 0 : i32
      %scan3A_22 = arith.constant 128 : i32
      %scan3A_23 = arith.addi %scan3A, %scan3A_22 : i32
      %scan3A_24 = arith.constant 1 : i32
      scf.for %scan3A_28 = %scan3A to %scan3A_23 step %scan3A_24  : i32 {
        %rem3A = arith.constant 2 : i32
        %rem3A_29 = arith.remsi %scan3A_28, %rem3A : i32
        %eq3A_30 = arith.constant 0 : i32
        %eq3A_31 = arith.cmpi eq, %rem3A_29, %eq3A_30 : i32
        %convert_element_type3A_32 = arith.extui %eq3A_31 : i1 to i32
        %cond3A_33 = arith.constant 0 : i32
        %cond3A_34 = arith.cmpi ne, %convert_element_type3A_32, %cond3A_33 : i32
        scf.if %cond3A_34 {
          %dma_wait3A_42 = arith.constant 0 : i32
          %dma_wait3A_43 = arith.constant 0 : i32
          %dma_wait3A_44 = tpu.memref_slice %arg2[%dma_wait3A_42, %dma_wait3A_43] : memref<100000x16xf32, #tpu.memory_space<hbm>> -> memref<100000x16xf32, #tpu.memory_space<hbm>>
          tpu.wait_indirect_dma semaphore(%arg15 : memref<!tpu.dma_semaphore, #tpu.memory_space<semaphore_mem>>) src(%dma_wait3A_44 : memref<100000x16xf32, #tpu.memory_space<hbm>>) dst(%arg12 : memref<784x16xf32, #tpu.memory_space<vmem>>)
          %ge3A = arith.constant 1 : i32
          %ge3A_45 = arith.cmpi sge, %scan3A_28, %ge3A : i32
          %convert_element_type3A_46 = arith.extui %ge3A_45 : i1 to i32
          %cond3A_47 = arith.constant 0 : i32
          %cond3A_48 = arith.cmpi ne, %convert_element_type3A_46, %cond3A_47 : i32
          scf.if %cond3A_48 {
            %dma_wait3A_57 = arith.constant 0 : i32
            %dma_wait3A_58 = arith.constant 0 : i32
            %dma_wait3A_59 = tpu.memref_slice %arg14[%dma_wait3A_57, %dma_wait3A_58] : memref<100096x16xf32, #tpu.memory_space<vmem_shared>> -> memref<100096x16xf32, #tpu.memory_space<vmem_shared>>
            tpu.wait_indirect_dma semaphore(%arg16 : memref<!tpu.dma_semaphore, #tpu.memory_space<semaphore_mem>>) src(%arg13 : memref<784x16xf32, #tpu.memory_space<vmem>>) dst(%dma_wait3A_59 : memref<100096x16xf32, #tpu.memory_space<vmem_shared>>)
          } else {
          }
          %lt3A_49 = arith.constant 127 : i32
          %lt3A_50 = arith.cmpi slt, %scan3A_28, %lt3A_49 : i32
          %convert_element_type3A_51 = arith.extui %lt3A_50 : i1 to i32
          %cond3A_52 = arith.constant 0 : i32
          %cond3A_53 = arith.cmpi ne, %convert_element_type3A_51, %cond3A_52 : i32
          scf.if %cond3A_53 {
            %add3A = arith.constant 1 : i32
            %add3A_57 = arith.addi %scan3A_28, %add3A : i32
            %mul3A_58 = arith.constant 784 : i32
            %mul3A_59 = arith.muli %add3A_57, %mul3A_58 : i32
            %add3A_60 = arith.addi %mul3A_2, %mul3A_59 : i32
            "tpu.region"() ({
              %run_scoped3A = tpu.sem_alloc : memref<!tpu.dma_semaphore, #tpu.memory_space<semaphore_mem>>
              %dma_start3A_64 = tpu.memref_slice %arg4[%add3A_60] : memref<1605632xi32, #tpu.memory_space<hbm>> -> memref<784xi32, #tpu.memory_space<hbm>>
              %dma_start3A_65 = tpu.memref_slice %arg4[%add3A_60] : memref<1605632xi32, #tpu.memory_space<hbm>> -> memref<784xi32, #tpu.memory_space<hbm>>
              tpu.enqueue_dma source(%dma_start3A_65 : memref<784xi32, #tpu.memory_space<hbm>>) target(%arg9 : memref<784xi32, #tpu.memory_space<vmem>>) target_semaphore(%run_scoped3A : memref<!tpu.dma_semaphore, #tpu.memory_space<semaphore_mem>>)
              %dma_wait3A_66 = tpu.memref_slice %arg4[%add3A_60] : memref<1605632xi32, #tpu.memory_space<hbm>> -> memref<784xi32, #tpu.memory_space<hbm>>
              %dma_wait3A_67 = tpu.memref_slice %arg4[%add3A_60] : memref<1605632xi32, #tpu.memory_space<hbm>> -> memref<784xi32, #tpu.memory_space<hbm>>
              tpu.wait_dma2 semaphore(%run_scoped3A : memref<!tpu.dma_semaphore, #tpu.memory_space<semaphore_mem>>) src(%dma_wait3A_67 : memref<784xi32, #tpu.memory_space<hbm>>) dst(%arg9 : memref<784xi32, #tpu.memory_space<vmem>>)
              tpu.yield
            }) : () -> ()
            "tpu.region"() ({
              %run_scoped3A = tpu.sem_alloc : memref<!tpu.dma_semaphore, #tpu.memory_space<semaphore_mem>>
              %dma_start3A_64 = tpu.memref_slice %arg5[%add3A_60] : memref<1605632xi32, #tpu.memory_space<hbm>> -> memref<784xi32, #tpu.memory_space<hbm>>
              %dma_start3A_65 = tpu.memref_slice %arg5[%add3A_60] : memref<1605632xi32, #tpu.memory_space<hbm>> -> memref<784xi32, #tpu.memory_space<hbm>>
              tpu.enqueue_dma source(%dma_start3A_65 : memref<784xi32, #tpu.memory_space<hbm>>) target(%arg11 : memref<784xi32, #tpu.memory_space<vmem>>) target_semaphore(%run_scoped3A : memref<!tpu.dma_semaphore, #tpu.memory_space<semaphore_mem>>)
              %dma_wait3A_66 = tpu.memref_slice %arg5[%add3A_60] : memref<1605632xi32, #tpu.memory_space<hbm>> -> memref<784xi32, #tpu.memory_space<hbm>>
              %dma_wait3A_67 = tpu.memref_slice %arg5[%add3A_60] : memref<1605632xi32, #tpu.memory_space<hbm>> -> memref<784xi32, #tpu.memory_space<hbm>>
              tpu.wait_dma2 semaphore(%run_scoped3A : memref<!tpu.dma_semaphore, #tpu.memory_space<semaphore_mem>>) src(%dma_wait3A_67 : memref<784xi32, #tpu.memory_space<hbm>>) dst(%arg11 : memref<784xi32, #tpu.memory_space<vmem>>)
              tpu.yield
            }) : () -> ()
            %dma_start3A_61 = arith.constant 0 : i32
            %dma_start3A_62 = arith.constant 0 : i32
            %dma_start3A_63 = tpu.memref_slice %arg2[%dma_start3A_61, %dma_start3A_62] : memref<100000x16xf32, #tpu.memory_space<hbm>> -> memref<100000x16xf32, #tpu.memory_space<hbm>>
            tpu.enqueue_indirect_dma source(%dma_start3A_63 : memref<100000x16xf32, #tpu.memory_space<hbm>>) target(%arg13 : memref<784x16xf32, #tpu.memory_space<vmem>>) offsets(%arg9 : memref<784xi32, #tpu.memory_space<vmem>>) semaphore(%arg15 : memref<!tpu.dma_semaphore, #tpu.memory_space<semaphore_mem>>)
          } else {
          }
          %dma_start3A_54 = arith.constant 0 : i32
          %dma_start3A_55 = arith.constant 0 : i32
          %dma_start3A_56 = tpu.memref_slice %arg14[%dma_start3A_54, %dma_start3A_55] : memref<100096x16xf32, #tpu.memory_space<vmem_shared>> -> memref<100096x16xf32, #tpu.memory_space<vmem_shared>>
          tpu.enqueue_indirect_dma source(%arg12 : memref<784x16xf32, #tpu.memory_space<vmem>>) target(%dma_start3A_56 : memref<100096x16xf32, #tpu.memory_space<vmem_shared>>) offsets(%arg10 : memref<784xi32, #tpu.memory_space<vmem>>) semaphore(%arg16 : memref<!tpu.dma_semaphore, #tpu.memory_space<semaphore_mem>>) {add = true}
        } else {
        }
        %rem3A_35 = arith.constant 2 : i32
        %rem3A_36 = arith.remsi %scan3A_28, %rem3A_35 : i32
        %eq3A_37 = arith.constant 1 : i32
        %eq3A_38 = arith.cmpi eq, %rem3A_36, %eq3A_37 : i32
        %convert_element_type3A_39 = arith.extui %eq3A_38 : i1 to i32
        %cond3A_40 = arith.constant 0 : i32
        %cond3A_41 = arith.cmpi ne, %convert_element_type3A_39, %cond3A_40 : i32
        scf.if %cond3A_41 {
          %dma_wait3A_42 = arith.constant 0 : i32
          %dma_wait3A_43 = arith.constant 0 : i32
          %dma_wait3A_44 = tpu.memref_slice %arg2[%dma_wait3A_42, %dma_wait3A_43] : memref<100000x16xf32, #tpu.memory_space<hbm>> -> memref<100000x16xf32, #tpu.memory_space<hbm>>
          tpu.wait_indirect_dma semaphore(%arg15 : memref<!tpu.dma_semaphore, #tpu.memory_space<semaphore_mem>>) src(%dma_wait3A_44 : memref<100000x16xf32, #tpu.memory_space<hbm>>) dst(%arg13 : memref<784x16xf32, #tpu.memory_space<vmem>>)
          %ge3A = arith.constant 1 : i32
          %ge3A_45 = arith.cmpi sge, %scan3A_28, %ge3A : i32
          %convert_element_type3A_46 = arith.extui %ge3A_45 : i1 to i32
          %cond3A_47 = arith.constant 0 : i32
          %cond3A_48 = arith.cmpi ne, %convert_element_type3A_46, %cond3A_47 : i32
          scf.if %cond3A_48 {
            %dma_wait3A_57 = arith.constant 0 : i32
            %dma_wait3A_58 = arith.constant 0 : i32
            %dma_wait3A_59 = tpu.memref_slice %arg14[%dma_wait3A_57, %dma_wait3A_58] : memref<100096x16xf32, #tpu.memory_space<vmem_shared>> -> memref<100096x16xf32, #tpu.memory_space<vmem_shared>>
            tpu.wait_indirect_dma semaphore(%arg16 : memref<!tpu.dma_semaphore, #tpu.memory_space<semaphore_mem>>) src(%arg12 : memref<784x16xf32, #tpu.memory_space<vmem>>) dst(%dma_wait3A_59 : memref<100096x16xf32, #tpu.memory_space<vmem_shared>>)
          } else {
          }
          %lt3A_49 = arith.constant 127 : i32
          %lt3A_50 = arith.cmpi slt, %scan3A_28, %lt3A_49 : i32
          %convert_element_type3A_51 = arith.extui %lt3A_50 : i1 to i32
          %cond3A_52 = arith.constant 0 : i32
          %cond3A_53 = arith.cmpi ne, %convert_element_type3A_51, %cond3A_52 : i32
          scf.if %cond3A_53 {
            %add3A = arith.constant 1 : i32
            %add3A_57 = arith.addi %scan3A_28, %add3A : i32
            %mul3A_58 = arith.constant 784 : i32
            %mul3A_59 = arith.muli %add3A_57, %mul3A_58 : i32
            %add3A_60 = arith.addi %mul3A_2, %mul3A_59 : i32
            "tpu.region"() ({
              %run_scoped3A = tpu.sem_alloc : memref<!tpu.dma_semaphore, #tpu.memory_space<semaphore_mem>>
              %dma_start3A_64 = tpu.memref_slice %arg4[%add3A_60] : memref<1605632xi32, #tpu.memory_space<hbm>> -> memref<784xi32, #tpu.memory_space<hbm>>
              %dma_start3A_65 = tpu.memref_slice %arg4[%add3A_60] : memref<1605632xi32, #tpu.memory_space<hbm>> -> memref<784xi32, #tpu.memory_space<hbm>>
              tpu.enqueue_dma source(%dma_start3A_65 : memref<784xi32, #tpu.memory_space<hbm>>) target(%arg8 : memref<784xi32, #tpu.memory_space<vmem>>) target_semaphore(%run_scoped3A : memref<!tpu.dma_semaphore, #tpu.memory_space<semaphore_mem>>)
              %dma_wait3A_66 = tpu.memref_slice %arg4[%add3A_60] : memref<1605632xi32, #tpu.memory_space<hbm>> -> memref<784xi32, #tpu.memory_space<hbm>>
              %dma_wait3A_67 = tpu.memref_slice %arg4[%add3A_60] : memref<1605632xi32, #tpu.memory_space<hbm>> -> memref<784xi32, #tpu.memory_space<hbm>>
              tpu.wait_dma2 semaphore(%run_scoped3A : memref<!tpu.dma_semaphore, #tpu.memory_space<semaphore_mem>>) src(%dma_wait3A_67 : memref<784xi32, #tpu.memory_space<hbm>>) dst(%arg8 : memref<784xi32, #tpu.memory_space<vmem>>)
              tpu.yield
            }) : () -> ()
            "tpu.region"() ({
              %run_scoped3A = tpu.sem_alloc : memref<!tpu.dma_semaphore, #tpu.memory_space<semaphore_mem>>
              %dma_start3A_64 = tpu.memref_slice %arg5[%add3A_60] : memref<1605632xi32, #tpu.memory_space<hbm>> -> memref<784xi32, #tpu.memory_space<hbm>>
              %dma_start3A_65 = tpu.memref_slice %arg5[%add3A_60] : memref<1605632xi32, #tpu.memory_space<hbm>> -> memref<784xi32, #tpu.memory_space<hbm>>
              tpu.enqueue_dma source(%dma_start3A_65 : memref<784xi32, #tpu.memory_space<hbm>>) target(%arg10 : memref<784xi32, #tpu.memory_space<vmem>>) target_semaphore(%run_scoped3A : memref<!tpu.dma_semaphore, #tpu.memory_space<semaphore_mem>>)
              %dma_wait3A_66 = tpu.memref_slice %arg5[%add3A_60] : memref<1605632xi32, #tpu.memory_space<hbm>> -> memref<784xi32, #tpu.memory_space<hbm>>
              %dma_wait3A_67 = tpu.memref_slice %arg5[%add3A_60] : memref<1605632xi32, #tpu.memory_space<hbm>> -> memref<784xi32, #tpu.memory_space<hbm>>
              tpu.wait_dma2 semaphore(%run_scoped3A : memref<!tpu.dma_semaphore, #tpu.memory_space<semaphore_mem>>) src(%dma_wait3A_67 : memref<784xi32, #tpu.memory_space<hbm>>) dst(%arg10 : memref<784xi32, #tpu.memory_space<vmem>>)
              tpu.yield
            }) : () -> ()
            %dma_start3A_61 = arith.constant 0 : i32
            %dma_start3A_62 = arith.constant 0 : i32
            %dma_start3A_63 = tpu.memref_slice %arg2[%dma_start3A_61, %dma_start3A_62] : memref<100000x16xf32, #tpu.memory_space<hbm>> -> memref<100000x16xf32, #tpu.memory_space<hbm>>
            tpu.enqueue_indirect_dma source(%dma_start3A_63 : memref<100000x16xf32, #tpu.memory_space<hbm>>) target(%arg12 : memref<784x16xf32, #tpu.memory_space<vmem>>) offsets(%arg8 : memref<784xi32, #tpu.memory_space<vmem>>) semaphore(%arg15 : memref<!tpu.dma_semaphore, #tpu.memory_space<semaphore_mem>>)
          } else {
          }
          %dma_start3A_54 = arith.constant 0 : i32
          %dma_start3A_55 = arith.constant 0 : i32
          %dma_start3A_56 = tpu.memref_slice %arg14[%dma_start3A_54, %dma_start3A_55] : memref<100096x16xf32, #tpu.memory_space<vmem_shared>> -> memref<100096x16xf32, #tpu.memory_space<vmem_shared>>
          tpu.enqueue_indirect_dma source(%arg13 : memref<784x16xf32, #tpu.memory_space<vmem>>) target(%dma_start3A_56 : memref<100096x16xf32, #tpu.memory_space<vmem_shared>>) offsets(%arg11 : memref<784xi32, #tpu.memory_space<vmem>>) semaphore(%arg16 : memref<!tpu.dma_semaphore, #tpu.memory_space<semaphore_mem>>) {add = true}
        } else {
        }
      }
      %scan3A_25 = arith.constant 128 : i32
      %dma_wait3A = arith.constant 0 : i32
      %dma_wait3A_26 = arith.constant 0 : i32
      %dma_wait3A_27 = tpu.memref_slice %arg14[%dma_wait3A, %dma_wait3A_26] : memref<100096x16xf32, #tpu.memory_space<vmem_shared>> -> memref<100096x16xf32, #tpu.memory_space<vmem_shared>>
      tpu.wait_indirect_dma semaphore(%arg16 : memref<!tpu.dma_semaphore, #tpu.memory_space<semaphore_mem>>) src(%arg13 : memref<784x16xf32, #tpu.memory_space<vmem>>) dst(%dma_wait3A_27 : memref<100096x16xf32, #tpu.memory_space<vmem_shared>>)
    } else {
    }
    %eq3A_5 = arith.constant 1 : i32
    %eq3A_6 = arith.cmpi eq, %arg0, %eq3A_5 : i32
    %convert_element_type3A_7 = arith.extui %eq3A_6 : i1 to i32
    %cond3A_8 = arith.constant 0 : i32
    %cond3A_9 = arith.cmpi ne, %convert_element_type3A_7, %cond3A_8 : i32
    scf.if %cond3A_9 {
      "tpu.region"() ({
        %run_scoped3A = tpu.sem_alloc : memref<!tpu.dma_semaphore, #tpu.memory_space<semaphore_mem>>
        %dma_start3A_28 = tpu.memref_slice %arg4[%mul3A_2] : memref<1605632xi32, #tpu.memory_space<hbm>> -> memref<784xi32, #tpu.memory_space<hbm>>
        %dma_start3A_29 = tpu.memref_slice %arg4[%mul3A_2] : memref<1605632xi32, #tpu.memory_space<hbm>> -> memref<784xi32, #tpu.memory_space<hbm>>
        tpu.enqueue_dma source(%dma_start3A_29 : memref<784xi32, #tpu.memory_space<hbm>>) target(%arg8 : memref<784xi32, #tpu.memory_space<vmem>>) target_semaphore(%run_scoped3A : memref<!tpu.dma_semaphore, #tpu.memory_space<semaphore_mem>>)
        %dma_wait3A_30 = tpu.memref_slice %arg4[%mul3A_2] : memref<1605632xi32, #tpu.memory_space<hbm>> -> memref<784xi32, #tpu.memory_space<hbm>>
        %dma_wait3A_31 = tpu.memref_slice %arg4[%mul3A_2] : memref<1605632xi32, #tpu.memory_space<hbm>> -> memref<784xi32, #tpu.memory_space<hbm>>
        tpu.wait_dma2 semaphore(%run_scoped3A : memref<!tpu.dma_semaphore, #tpu.memory_space<semaphore_mem>>) src(%dma_wait3A_31 : memref<784xi32, #tpu.memory_space<hbm>>) dst(%arg8 : memref<784xi32, #tpu.memory_space<vmem>>)
        tpu.yield
      }) : () -> ()
      "tpu.region"() ({
        %run_scoped3A = tpu.sem_alloc : memref<!tpu.dma_semaphore, #tpu.memory_space<semaphore_mem>>
        %dma_start3A_28 = tpu.memref_slice %arg5[%mul3A_2] : memref<1605632xi32, #tpu.memory_space<hbm>> -> memref<784xi32, #tpu.memory_space<hbm>>
        %dma_start3A_29 = tpu.memref_slice %arg5[%mul3A_2] : memref<1605632xi32, #tpu.memory_space<hbm>> -> memref<784xi32, #tpu.memory_space<hbm>>
        tpu.enqueue_dma source(%dma_start3A_29 : memref<784xi32, #tpu.memory_space<hbm>>) target(%arg10 : memref<784xi32, #tpu.memory_space<vmem>>) target_semaphore(%run_scoped3A : memref<!tpu.dma_semaphore, #tpu.memory_space<semaphore_mem>>)
        %dma_wait3A_30 = tpu.memref_slice %arg5[%mul3A_2] : memref<1605632xi32, #tpu.memory_space<hbm>> -> memref<784xi32, #tpu.memory_space<hbm>>
        %dma_wait3A_31 = tpu.memref_slice %arg5[%mul3A_2] : memref<1605632xi32, #tpu.memory_space<hbm>> -> memref<784xi32, #tpu.memory_space<hbm>>
        tpu.wait_dma2 semaphore(%run_scoped3A : memref<!tpu.dma_semaphore, #tpu.memory_space<semaphore_mem>>) src(%dma_wait3A_31 : memref<784xi32, #tpu.memory_space<hbm>>) dst(%arg10 : memref<784xi32, #tpu.memory_space<vmem>>)
        tpu.yield
      }) : () -> ()
      %dma_start3A = arith.constant 0 : i32
      %dma_start3A_20 = arith.constant 0 : i32
      %dma_start3A_21 = tpu.memref_slice %arg3[%dma_start3A, %dma_start3A_20] : memref<100000x16xf32, #tpu.memory_space<hbm>> -> memref<100000x16xf32, #tpu.memory_space<hbm>>
      tpu.enqueue_indirect_dma source(%dma_start3A_21 : memref<100000x16xf32, #tpu.memory_space<hbm>>) target(%arg12 : memref<784x16xf32, #tpu.memory_space<vmem>>) offsets(%arg8 : memref<784xi32, #tpu.memory_space<vmem>>) semaphore(%arg15 : memref<!tpu.dma_semaphore, #tpu.memory_space<semaphore_mem>>)
      %scan3A = arith.constant 0 : i32
      %scan3A_22 = arith.constant 128 : i32
      %scan3A_23 = arith.addi %scan3A, %scan3A_22 : i32
      %scan3A_24 = arith.constant 1 : i32
      scf.for %scan3A_28 = %scan3A to %scan3A_23 step %scan3A_24  : i32 {
        %rem3A = arith.constant 2 : i32
        %rem3A_29 = arith.remsi %scan3A_28, %rem3A : i32
        %eq3A_30 = arith.constant 0 : i32
        %eq3A_31 = arith.cmpi eq, %rem3A_29, %eq3A_30 : i32
        %convert_element_type3A_32 = arith.extui %eq3A_31 : i1 to i32
        %cond3A_33 = arith.constant 0 : i32
        %cond3A_34 = arith.cmpi ne, %convert_element_type3A_32, %cond3A_33 : i32
        scf.if %cond3A_34 {
          %dma_wait3A_42 = arith.constant 0 : i32
          %dma_wait3A_43 = arith.constant 0 : i32
          %dma_wait3A_44 = tpu.memref_slice %arg3[%dma_wait3A_42, %dma_wait3A_43] : memref<100000x16xf32, #tpu.memory_space<hbm>> -> memref<100000x16xf32, #tpu.memory_space<hbm>>
          tpu.wait_indirect_dma semaphore(%arg15 : memref<!tpu.dma_semaphore, #tpu.memory_space<semaphore_mem>>) src(%dma_wait3A_44 : memref<100000x16xf32, #tpu.memory_space<hbm>>) dst(%arg12 : memref<784x16xf32, #tpu.memory_space<vmem>>)
          %ge3A = arith.constant 1 : i32
          %ge3A_45 = arith.cmpi sge, %scan3A_28, %ge3A : i32
          %convert_element_type3A_46 = arith.extui %ge3A_45 : i1 to i32
          %cond3A_47 = arith.constant 0 : i32
          %cond3A_48 = arith.cmpi ne, %convert_element_type3A_46, %cond3A_47 : i32
          scf.if %cond3A_48 {
            %dma_wait3A_57 = arith.constant 0 : i32
            %dma_wait3A_58 = arith.constant 0 : i32
            %dma_wait3A_59 = tpu.memref_slice %arg14[%dma_wait3A_57, %dma_wait3A_58] : memref<100096x16xf32, #tpu.memory_space<vmem_shared>> -> memref<100096x16xf32, #tpu.memory_space<vmem_shared>>
            tpu.wait_indirect_dma semaphore(%arg16 : memref<!tpu.dma_semaphore, #tpu.memory_space<semaphore_mem>>) src(%arg13 : memref<784x16xf32, #tpu.memory_space<vmem>>) dst(%dma_wait3A_59 : memref<100096x16xf32, #tpu.memory_space<vmem_shared>>)
          } else {
          }
          %lt3A_49 = arith.constant 127 : i32
          %lt3A_50 = arith.cmpi slt, %scan3A_28, %lt3A_49 : i32
          %convert_element_type3A_51 = arith.extui %lt3A_50 : i1 to i32
          %cond3A_52 = arith.constant 0 : i32
          %cond3A_53 = arith.cmpi ne, %convert_element_type3A_51, %cond3A_52 : i32
          scf.if %cond3A_53 {
            %add3A = arith.constant 1 : i32
            %add3A_57 = arith.addi %scan3A_28, %add3A : i32
            %mul3A_58 = arith.constant 784 : i32
            %mul3A_59 = arith.muli %add3A_57, %mul3A_58 : i32
            %add3A_60 = arith.addi %mul3A_2, %mul3A_59 : i32
            "tpu.region"() ({
              %run_scoped3A = tpu.sem_alloc : memref<!tpu.dma_semaphore, #tpu.memory_space<semaphore_mem>>
              %dma_start3A_64 = tpu.memref_slice %arg4[%add3A_60] : memref<1605632xi32, #tpu.memory_space<hbm>> -> memref<784xi32, #tpu.memory_space<hbm>>
              %dma_start3A_65 = tpu.memref_slice %arg4[%add3A_60] : memref<1605632xi32, #tpu.memory_space<hbm>> -> memref<784xi32, #tpu.memory_space<hbm>>
              tpu.enqueue_dma source(%dma_start3A_65 : memref<784xi32, #tpu.memory_space<hbm>>) target(%arg9 : memref<784xi32, #tpu.memory_space<vmem>>) target_semaphore(%run_scoped3A : memref<!tpu.dma_semaphore, #tpu.memory_space<semaphore_mem>>)
              %dma_wait3A_66 = tpu.memref_slice %arg4[%add3A_60] : memref<1605632xi32, #tpu.memory_space<hbm>> -> memref<784xi32, #tpu.memory_space<hbm>>
              %dma_wait3A_67 = tpu.memref_slice %arg4[%add3A_60] : memref<1605632xi32, #tpu.memory_space<hbm>> -> memref<784xi32, #tpu.memory_space<hbm>>
              tpu.wait_dma2 semaphore(%run_scoped3A : memref<!tpu.dma_semaphore, #tpu.memory_space<semaphore_mem>>) src(%dma_wait3A_67 : memref<784xi32, #tpu.memory_space<hbm>>) dst(%arg9 : memref<784xi32, #tpu.memory_space<vmem>>)
              tpu.yield
            }) : () -> ()
            "tpu.region"() ({
              %run_scoped3A = tpu.sem_alloc : memref<!tpu.dma_semaphore, #tpu.memory_space<semaphore_mem>>
              %dma_start3A_64 = tpu.memref_slice %arg5[%add3A_60] : memref<1605632xi32, #tpu.memory_space<hbm>> -> memref<784xi32, #tpu.memory_space<hbm>>
              %dma_start3A_65 = tpu.memref_slice %arg5[%add3A_60] : memref<1605632xi32, #tpu.memory_space<hbm>> -> memref<784xi32, #tpu.memory_space<hbm>>
              tpu.enqueue_dma source(%dma_start3A_65 : memref<784xi32, #tpu.memory_space<hbm>>) target(%arg11 : memref<784xi32, #tpu.memory_space<vmem>>) target_semaphore(%run_scoped3A : memref<!tpu.dma_semaphore, #tpu.memory_space<semaphore_mem>>)
              %dma_wait3A_66 = tpu.memref_slice %arg5[%add3A_60] : memref<1605632xi32, #tpu.memory_space<hbm>> -> memref<784xi32, #tpu.memory_space<hbm>>
              %dma_wait3A_67 = tpu.memref_slice %arg5[%add3A_60] : memref<1605632xi32, #tpu.memory_space<hbm>> -> memref<784xi32, #tpu.memory_space<hbm>>
              tpu.wait_dma2 semaphore(%run_scoped3A : memref<!tpu.dma_semaphore, #tpu.memory_space<semaphore_mem>>) src(%dma_wait3A_67 : memref<784xi32, #tpu.memory_space<hbm>>) dst(%arg11 : memref<784xi32, #tpu.memory_space<vmem>>)
              tpu.yield
            }) : () -> ()
            %dma_start3A_61 = arith.constant 0 : i32
            %dma_start3A_62 = arith.constant 0 : i32
            %dma_start3A_63 = tpu.memref_slice %arg3[%dma_start3A_61, %dma_start3A_62] : memref<100000x16xf32, #tpu.memory_space<hbm>> -> memref<100000x16xf32, #tpu.memory_space<hbm>>
            tpu.enqueue_indirect_dma source(%dma_start3A_63 : memref<100000x16xf32, #tpu.memory_space<hbm>>) target(%arg13 : memref<784x16xf32, #tpu.memory_space<vmem>>) offsets(%arg9 : memref<784xi32, #tpu.memory_space<vmem>>) semaphore(%arg15 : memref<!tpu.dma_semaphore, #tpu.memory_space<semaphore_mem>>)
          } else {
          }
          %dma_start3A_54 = arith.constant 0 : i32
          %dma_start3A_55 = arith.constant 0 : i32
          %dma_start3A_56 = tpu.memref_slice %arg14[%dma_start3A_54, %dma_start3A_55] : memref<100096x16xf32, #tpu.memory_space<vmem_shared>> -> memref<100096x16xf32, #tpu.memory_space<vmem_shared>>
          tpu.enqueue_indirect_dma source(%arg12 : memref<784x16xf32, #tpu.memory_space<vmem>>) target(%dma_start3A_56 : memref<100096x16xf32, #tpu.memory_space<vmem_shared>>) offsets(%arg10 : memref<784xi32, #tpu.memory_space<vmem>>) semaphore(%arg16 : memref<!tpu.dma_semaphore, #tpu.memory_space<semaphore_mem>>) {add = true}
        } else {
        }
        %rem3A_35 = arith.constant 2 : i32
        %rem3A_36 = arith.remsi %scan3A_28, %rem3A_35 : i32
        %eq3A_37 = arith.constant 1 : i32
        %eq3A_38 = arith.cmpi eq, %rem3A_36, %eq3A_37 : i32
        %convert_element_type3A_39 = arith.extui %eq3A_38 : i1 to i32
        %cond3A_40 = arith.constant 0 : i32
        %cond3A_41 = arith.cmpi ne, %convert_element_type3A_39, %cond3A_40 : i32
        scf.if %cond3A_41 {
          %dma_wait3A_42 = arith.constant 0 : i32
          %dma_wait3A_43 = arith.constant 0 : i32
          %dma_wait3A_44 = tpu.memref_slice %arg3[%dma_wait3A_42, %dma_wait3A_43] : memref<100000x16xf32, #tpu.memory_space<hbm>> -> memref<100000x16xf32, #tpu.memory_space<hbm>>
          tpu.wait_indirect_dma semaphore(%arg15 : memref<!tpu.dma_semaphore, #tpu.memory_space<semaphore_mem>>) src(%dma_wait3A_44 : memref<100000x16xf32, #tpu.memory_space<hbm>>) dst(%arg13 : memref<784x16xf32, #tpu.memory_space<vmem>>)
          %ge3A = arith.constant 1 : i32
          %ge3A_45 = arith.cmpi sge, %scan3A_28, %ge3A : i32
          %convert_element_type3A_46 = arith.extui %ge3A_45 : i1 to i32
          %cond3A_47 = arith.constant 0 : i32
          %cond3A_48 = arith.cmpi ne, %convert_element_type3A_46, %cond3A_47 : i32
          scf.if %cond3A_48 {
            %dma_wait3A_57 = arith.constant 0 : i32
            %dma_wait3A_58 = arith.constant 0 : i32
            %dma_wait3A_59 = tpu.memref_slice %arg14[%dma_wait3A_57, %dma_wait3A_58] : memref<100096x16xf32, #tpu.memory_space<vmem_shared>> -> memref<100096x16xf32, #tpu.memory_space<vmem_shared>>
            tpu.wait_indirect_dma semaphore(%arg16 : memref<!tpu.dma_semaphore, #tpu.memory_space<semaphore_mem>>) src(%arg12 : memref<784x16xf32, #tpu.memory_space<vmem>>) dst(%dma_wait3A_59 : memref<100096x16xf32, #tpu.memory_space<vmem_shared>>)
          } else {
          }
          %lt3A_49 = arith.constant 127 : i32
          %lt3A_50 = arith.cmpi slt, %scan3A_28, %lt3A_49 : i32
          %convert_element_type3A_51 = arith.extui %lt3A_50 : i1 to i32
          %cond3A_52 = arith.constant 0 : i32
          %cond3A_53 = arith.cmpi ne, %convert_element_type3A_51, %cond3A_52 : i32
          scf.if %cond3A_53 {
            %add3A = arith.constant 1 : i32
            %add3A_57 = arith.addi %scan3A_28, %add3A : i32
            %mul3A_58 = arith.constant 784 : i32
            %mul3A_59 = arith.muli %add3A_57, %mul3A_58 : i32
            %add3A_60 = arith.addi %mul3A_2, %mul3A_59 : i32
            "tpu.region"() ({
              %run_scoped3A = tpu.sem_alloc : memref<!tpu.dma_semaphore, #tpu.memory_space<semaphore_mem>>
              %dma_start3A_64 = tpu.memref_slice %arg4[%add3A_60] : memref<1605632xi32, #tpu.memory_space<hbm>> -> memref<784xi32, #tpu.memory_space<hbm>>
              %dma_start3A_65 = tpu.memref_slice %arg4[%add3A_60] : memref<1605632xi32, #tpu.memory_space<hbm>> -> memref<784xi32, #tpu.memory_space<hbm>>
              tpu.enqueue_dma source(%dma_start3A_65 : memref<784xi32, #tpu.memory_space<hbm>>) target(%arg8 : memref<784xi32, #tpu.memory_space<vmem>>) target_semaphore(%run_scoped3A : memref<!tpu.dma_semaphore, #tpu.memory_space<semaphore_mem>>)
              %dma_wait3A_66 = tpu.memref_slice %arg4[%add3A_60] : memref<1605632xi32, #tpu.memory_space<hbm>> -> memref<784xi32, #tpu.memory_space<hbm>>
              %dma_wait3A_67 = tpu.memref_slice %arg4[%add3A_60] : memref<1605632xi32, #tpu.memory_space<hbm>> -> memref<784xi32, #tpu.memory_space<hbm>>
              tpu.wait_dma2 semaphore(%run_scoped3A : memref<!tpu.dma_semaphore, #tpu.memory_space<semaphore_mem>>) src(%dma_wait3A_67 : memref<784xi32, #tpu.memory_space<hbm>>) dst(%arg8 : memref<784xi32, #tpu.memory_space<vmem>>)
              tpu.yield
            }) : () -> ()
            "tpu.region"() ({
              %run_scoped3A = tpu.sem_alloc : memref<!tpu.dma_semaphore, #tpu.memory_space<semaphore_mem>>
              %dma_start3A_64 = tpu.memref_slice %arg5[%add3A_60] : memref<1605632xi32, #tpu.memory_space<hbm>> -> memref<784xi32, #tpu.memory_space<hbm>>
              %dma_start3A_65 = tpu.memref_slice %arg5[%add3A_60] : memref<1605632xi32, #tpu.memory_space<hbm>> -> memref<784xi32, #tpu.memory_space<hbm>>
              tpu.enqueue_dma source(%dma_start3A_65 : memref<784xi32, #tpu.memory_space<hbm>>) target(%arg10 : memref<784xi32, #tpu.memory_space<vmem>>) target_semaphore(%run_scoped3A : memref<!tpu.dma_semaphore, #tpu.memory_space<semaphore_mem>>)
              %dma_wait3A_66 = tpu.memref_slice %arg5[%add3A_60] : memref<1605632xi32, #tpu.memory_space<hbm>> -> memref<784xi32, #tpu.memory_space<hbm>>
              %dma_wait3A_67 = tpu.memref_slice %arg5[%add3A_60] : memref<1605632xi32, #tpu.memory_space<hbm>> -> memref<784xi32, #tpu.memory_space<hbm>>
              tpu.wait_dma2 semaphore(%run_scoped3A : memref<!tpu.dma_semaphore, #tpu.memory_space<semaphore_mem>>) src(%dma_wait3A_67 : memref<784xi32, #tpu.memory_space<hbm>>) dst(%arg10 : memref<784xi32, #tpu.memory_space<vmem>>)
              tpu.yield
            }) : () -> ()
            %dma_start3A_61 = arith.constant 0 : i32
            %dma_start3A_62 = arith.constant 0 : i32
            %dma_start3A_63 = tpu.memref_slice %arg3[%dma_start3A_61, %dma_start3A_62] : memref<100000x16xf32, #tpu.memory_space<hbm>> -> memref<100000x16xf32, #tpu.memory_space<hbm>>
            tpu.enqueue_indirect_dma source(%dma_start3A_63 : memref<100000x16xf32, #tpu.memory_space<hbm>>) target(%arg12 : memref<784x16xf32, #tpu.memory_space<vmem>>) offsets(%arg8 : memref<784xi32, #tpu.memory_space<vmem>>) semaphore(%arg15 : memref<!tpu.dma_semaphore, #tpu.memory_space<semaphore_mem>>)
          } else {
          }
          %dma_start3A_54 = arith.constant 0 : i32
          %dma_start3A_55 = arith.constant 0 : i32
          %dma_start3A_56 = tpu.memref_slice %arg14[%dma_start3A_54, %dma_start3A_55] : memref<100096x16xf32, #tpu.memory_space<vmem_shared>> -> memref<100096x16xf32, #tpu.memory_space<vmem_shared>>
          tpu.enqueue_indirect_dma source(%arg13 : memref<784x16xf32, #tpu.memory_space<vmem>>) target(%dma_start3A_56 : memref<100096x16xf32, #tpu.memory_space<vmem_shared>>) offsets(%arg11 : memref<784xi32, #tpu.memory_space<vmem>>) semaphore(%arg16 : memref<!tpu.dma_semaphore, #tpu.memory_space<semaphore_mem>>) {add = true}
        } else {
        }
      }
      %scan3A_25 = arith.constant 128 : i32
      %dma_wait3A = arith.constant 0 : i32
      %dma_wait3A_26 = arith.constant 0 : i32
      %dma_wait3A_27 = tpu.memref_slice %arg14[%dma_wait3A, %dma_wait3A_26] : memref<100096x16xf32, #tpu.memory_space<vmem_shared>> -> memref<100096x16xf32, #tpu.memory_space<vmem_shared>>
      tpu.wait_indirect_dma semaphore(%arg16 : memref<!tpu.dma_semaphore, #tpu.memory_space<semaphore_mem>>) src(%arg13 : memref<784x16xf32, #tpu.memory_space<vmem>>) dst(%dma_wait3A_27 : memref<100096x16xf32, #tpu.memory_space<vmem_shared>>)
    } else {
    }
    %barrier3A_10 = arith.constant 0 : index
    tpu.barrier barrier_id(%barrier3A_10)
    %lt3A = arith.constant 15 : i32
    %lt3A_11 = arith.cmpi slt, %arg1, %lt3A : i32
    %convert_element_type3A_12 = arith.extui %lt3A_11 : i1 to i32
    %cond3A_13 = arith.constant 0 : i32
    %cond3A_14 = arith.cmpi ne, %convert_element_type3A_12, %cond3A_13 : i32
    scf.if %cond3A_14 {
      %mul3A_20 = arith.constant 6256 : i32
      %mul3A_21 = arith.muli %arg1, %mul3A_20 : i32
      %mul3A_22 = arith.constant 6256 : i32
      %mul3A_23 = arith.muli %arg1, %mul3A_22 : i32
      "tpu.region"() ({
        %run_scoped3A = tpu.sem_alloc : memref<!tpu.dma_semaphore, #tpu.memory_space<semaphore_mem>>
        %dma_start3A = arith.constant 0 : i32
        %dma_start3A_24 = tpu.memref_slice %arg7[%arg0, %mul3A_23, %dma_start3A] : memref<2x100000x16xf32, #tpu.memory_space<hbm>> -> memref<1x6256x16xf32, #tpu.memory_space<hbm>>
        %dma_start3A_25 = tpu.memref_squeeze %dma_start3A_24 : memref<1x6256x16xf32, #tpu.memory_space<hbm>> -> memref<6256x16xf32, #tpu.memory_space<hbm>>
        %dma_start3A_26 = arith.constant 0 : i32
        %dma_start3A_27 = tpu.memref_slice %arg14[%mul3A_21, %dma_start3A_26] : memref<100096x16xf32, #tpu.memory_space<vmem_shared>> -> memref<6256x16xf32, #tpu.memory_space<vmem_shared>>
        tpu.enqueue_dma source(%dma_start3A_27 : memref<6256x16xf32, #tpu.memory_space<vmem_shared>>) target(%dma_start3A_25 : memref<6256x16xf32, #tpu.memory_space<hbm>>) target_semaphore(%run_scoped3A : memref<!tpu.dma_semaphore, #tpu.memory_space<semaphore_mem>>)
        %dma_wait3A = arith.constant 0 : i32
        %dma_wait3A_28 = tpu.memref_slice %arg7[%arg0, %mul3A_23, %dma_wait3A] : memref<2x100000x16xf32, #tpu.memory_space<hbm>> -> memref<1x6256x16xf32, #tpu.memory_space<hbm>>
        %dma_wait3A_29 = tpu.memref_squeeze %dma_wait3A_28 : memref<1x6256x16xf32, #tpu.memory_space<hbm>> -> memref<6256x16xf32, #tpu.memory_space<hbm>>
        %dma_wait3A_30 = arith.constant 0 : i32
        %dma_wait3A_31 = tpu.memref_slice %arg14[%mul3A_21, %dma_wait3A_30] : memref<100096x16xf32, #tpu.memory_space<vmem_shared>> -> memref<6256x16xf32, #tpu.memory_space<vmem_shared>>
        tpu.wait_dma2 semaphore(%run_scoped3A : memref<!tpu.dma_semaphore, #tpu.memory_space<semaphore_mem>>) src(%dma_wait3A_31 : memref<6256x16xf32, #tpu.memory_space<vmem_shared>>) dst(%dma_wait3A_29 : memref<6256x16xf32, #tpu.memory_space<hbm>>)
        tpu.yield
      }) : () -> ()
    } else {
    }
    %eq3A_15 = arith.constant 15 : i32
    %eq3A_16 = arith.cmpi eq, %arg1, %eq3A_15 : i32
    %convert_element_type3A_17 = arith.extui %eq3A_16 : i1 to i32
    %cond3A_18 = arith.constant 0 : i32
    %cond3A_19 = arith.cmpi ne, %convert_element_type3A_17, %cond3A_18 : i32
    scf.if %cond3A_19 {
      "tpu.region"() ({
        %run_scoped3A = tpu.sem_alloc : memref<!tpu.dma_semaphore, #tpu.memory_space<semaphore_mem>>
        %dma_start3A = arith.constant 93840 : i32
        %dma_start3A_20 = arith.constant 0 : i32
        %dma_start3A_21 = tpu.memref_slice %arg7[%arg0, %dma_start3A, %dma_start3A_20] : memref<2x100000x16xf32, #tpu.memory_space<hbm>> -> memref<1x6160x16xf32, #tpu.memory_space<hbm>>
        %dma_start3A_22 = tpu.memref_squeeze %dma_start3A_21 : memref<1x6160x16xf32, #tpu.memory_space<hbm>> -> memref<6160x16xf32, #tpu.memory_space<hbm>>
        %dma_start3A_23 = arith.constant 93840 : i32
        %dma_start3A_24 = arith.constant 0 : i32
        %dma_start3A_25 = tpu.memref_slice %arg14[%dma_start3A_23, %dma_start3A_24] : memref<100096x16xf32, #tpu.memory_space<vmem_shared>> -> memref<6160x16xf32, #tpu.memory_space<vmem_shared>>
        tpu.enqueue_dma source(%dma_start3A_25 : memref<6160x16xf32, #tpu.memory_space<vmem_shared>>) target(%dma_start3A_22 : memref<6160x16xf32, #tpu.memory_space<hbm>>) target_semaphore(%run_scoped3A : memref<!tpu.dma_semaphore, #tpu.memory_space<semaphore_mem>>)
        %dma_wait3A = arith.constant 93840 : i32
        %dma_wait3A_26 = arith.constant 0 : i32
        %dma_wait3A_27 = tpu.memref_slice %arg7[%arg0, %dma_wait3A, %dma_wait3A_26] : memref<2x100000x16xf32, #tpu.memory_space<hbm>> -> memref<1x6160x16xf32, #tpu.memory_space<hbm>>
        %dma_wait3A_28 = tpu.memref_squeeze %dma_wait3A_27 : memref<1x6160x16xf32, #tpu.memory_space<hbm>> -> memref<6160x16xf32, #tpu.memory_space<hbm>>
        %dma_wait3A_29 = arith.constant 93840 : i32
        %dma_wait3A_30 = arith.constant 0 : i32
        %dma_wait3A_31 = tpu.memref_slice %arg14[%dma_wait3A_29, %dma_wait3A_30] : memref<100096x16xf32, #tpu.memory_space<vmem_shared>> -> memref<6160x16xf32, #tpu.memory_space<vmem_shared>>
        tpu.wait_dma2 semaphore(%run_scoped3A : memref<!tpu.dma_semaphore, #tpu.memory_space<semaphore_mem>>) src(%dma_wait3A_31 : memref<6160x16xf32, #tpu.memory_space<vmem_shared>>) dst(%dma_wait3A_28 : memref<6160x16xf32, #tpu.memory_space<hbm>>)
        tpu.yield
      }) : () -> ()
    } else {
    }
    return
  }
}

#map = affine_map<(d0, d1) -> (0, 0)>
#map1 = affine_map<(d0, d1) -> (0)>
#map2 = affine_map<(d0, d1) -> (0, 0, 0)>
module attributes {stable_mosaic.version = 14 : i64} {
  func.func @_gcn2_sc(%arg0: i32, %arg1: i32, %arg2: memref<100000x16xf32, #tpu.memory_space<hbm>>, %arg3: memref<1605632xi32, #tpu.memory_space<hbm>>, %arg4: memref<1605632xi32, #tpu.memory_space<hbm>>, %arg5: memref<6256x16xf32, #tpu.memory_space<hbm>>, %arg6: memref<2x100000x16xf32, #tpu.memory_space<hbm>>, %arg7: memref<784xi32, #tpu.memory_space<vmem>>, %arg8: memref<784xi32, #tpu.memory_space<vmem>>, %arg9: memref<784xi32, #tpu.memory_space<vmem>>, %arg10: memref<784xi32, #tpu.memory_space<vmem>>, %arg11: memref<784x16xf32, #tpu.memory_space<vmem>>, %arg12: memref<784x16xf32, #tpu.memory_space<vmem>>, %arg13: memref<100096x16xf32, #tpu.memory_space<vmem_shared>>, %arg14: memref<!tpu.dma_semaphore, #tpu.memory_space<semaphore_mem>>, %arg15: memref<!tpu.dma_semaphore, #tpu.memory_space<semaphore_mem>>) attributes {dimension_semantics = [#tpu.dimension_semantics<core_parallel>, #tpu.dimension_semantics<subcore_parallel>], iteration_bounds = array<i64: 2, 16>, scalar_prefetch = 0 : i64, scratch_operands = 9 : i64, tpu.core_type = #tpu.core_type<sc_vector_subcore>, window_params = [{transform_indices = #map}, {transform_indices = #map1}, {transform_indices = #map1}, {transform_indices = #map}, {transform_indices = #map2}]} {
    %mul3A = arith.constant 6256 : i32
    %mul3A_0 = arith.muli %arg1, %mul3A : i32
    "tpu.region"() ({
      %run_scoped3A = tpu.sem_alloc : memref<!tpu.dma_semaphore, #tpu.memory_space<semaphore_mem>>
      %dma_start3A_20 = arith.constant 0 : i32
      %dma_start3A_21 = tpu.memref_slice %arg13[%mul3A_0, %dma_start3A_20] : memref<100096x16xf32, #tpu.memory_space<vmem_shared>> -> memref<6256x16xf32, #tpu.memory_space<vmem_shared>>
      tpu.enqueue_dma source(%arg5 : memref<6256x16xf32, #tpu.memory_space<hbm>>) target(%dma_start3A_21 : memref<6256x16xf32, #tpu.memory_space<vmem_shared>>) target_semaphore(%run_scoped3A : memref<!tpu.dma_semaphore, #tpu.memory_space<semaphore_mem>>)
      %dma_wait3A_22 = arith.constant 0 : i32
      %dma_wait3A_23 = tpu.memref_slice %arg13[%mul3A_0, %dma_wait3A_22] : memref<100096x16xf32, #tpu.memory_space<vmem_shared>> -> memref<6256x16xf32, #tpu.memory_space<vmem_shared>>
      tpu.wait_dma2 semaphore(%run_scoped3A : memref<!tpu.dma_semaphore, #tpu.memory_space<semaphore_mem>>) src(%arg5 : memref<6256x16xf32, #tpu.memory_space<hbm>>) dst(%dma_wait3A_23 : memref<6256x16xf32, #tpu.memory_space<vmem_shared>>)
      tpu.yield
    }) : () -> ()
    %barrier3A = arith.constant 0 : index
    tpu.barrier barrier_id(%barrier3A)
    %mul3A_1 = arith.constant 16 : i32
    %mul3A_2 = arith.muli %arg0, %mul3A_1 : i32
    %add3A = arith.addi %mul3A_2, %arg1 : i32
    %mul3A_3 = arith.constant 50176 : i32
    %mul3A_4 = arith.muli %add3A, %mul3A_3 : i32
    "tpu.region"() ({
      %run_scoped3A = tpu.sem_alloc : memref<!tpu.dma_semaphore, #tpu.memory_space<semaphore_mem>>
      %dma_start3A_20 = tpu.memref_slice %arg3[%mul3A_4] : memref<1605632xi32, #tpu.memory_space<hbm>> -> memref<784xi32, #tpu.memory_space<hbm>>
      %dma_start3A_21 = tpu.memref_slice %arg3[%mul3A_4] : memref<1605632xi32, #tpu.memory_space<hbm>> -> memref<784xi32, #tpu.memory_space<hbm>>
      tpu.enqueue_dma source(%dma_start3A_21 : memref<784xi32, #tpu.memory_space<hbm>>) target(%arg7 : memref<784xi32, #tpu.memory_space<vmem>>) target_semaphore(%run_scoped3A : memref<!tpu.dma_semaphore, #tpu.memory_space<semaphore_mem>>)
      %dma_wait3A_22 = tpu.memref_slice %arg3[%mul3A_4] : memref<1605632xi32, #tpu.memory_space<hbm>> -> memref<784xi32, #tpu.memory_space<hbm>>
      %dma_wait3A_23 = tpu.memref_slice %arg3[%mul3A_4] : memref<1605632xi32, #tpu.memory_space<hbm>> -> memref<784xi32, #tpu.memory_space<hbm>>
      tpu.wait_dma2 semaphore(%run_scoped3A : memref<!tpu.dma_semaphore, #tpu.memory_space<semaphore_mem>>) src(%dma_wait3A_23 : memref<784xi32, #tpu.memory_space<hbm>>) dst(%arg7 : memref<784xi32, #tpu.memory_space<vmem>>)
      tpu.yield
    }) : () -> ()
    "tpu.region"() ({
      %run_scoped3A = tpu.sem_alloc : memref<!tpu.dma_semaphore, #tpu.memory_space<semaphore_mem>>
      %dma_start3A_20 = tpu.memref_slice %arg4[%mul3A_4] : memref<1605632xi32, #tpu.memory_space<hbm>> -> memref<784xi32, #tpu.memory_space<hbm>>
      %dma_start3A_21 = tpu.memref_slice %arg4[%mul3A_4] : memref<1605632xi32, #tpu.memory_space<hbm>> -> memref<784xi32, #tpu.memory_space<hbm>>
      tpu.enqueue_dma source(%dma_start3A_21 : memref<784xi32, #tpu.memory_space<hbm>>) target(%arg9 : memref<784xi32, #tpu.memory_space<vmem>>) target_semaphore(%run_scoped3A : memref<!tpu.dma_semaphore, #tpu.memory_space<semaphore_mem>>)
      %dma_wait3A_22 = tpu.memref_slice %arg4[%mul3A_4] : memref<1605632xi32, #tpu.memory_space<hbm>> -> memref<784xi32, #tpu.memory_space<hbm>>
      %dma_wait3A_23 = tpu.memref_slice %arg4[%mul3A_4] : memref<1605632xi32, #tpu.memory_space<hbm>> -> memref<784xi32, #tpu.memory_space<hbm>>
      tpu.wait_dma2 semaphore(%run_scoped3A : memref<!tpu.dma_semaphore, #tpu.memory_space<semaphore_mem>>) src(%dma_wait3A_23 : memref<784xi32, #tpu.memory_space<hbm>>) dst(%arg9 : memref<784xi32, #tpu.memory_space<vmem>>)
      tpu.yield
    }) : () -> ()
    %dma_start3A = arith.constant 0 : i32
    %dma_start3A_5 = arith.constant 0 : i32
    %dma_start3A_6 = tpu.memref_slice %arg2[%dma_start3A, %dma_start3A_5] : memref<100000x16xf32, #tpu.memory_space<hbm>> -> memref<100000x16xf32, #tpu.memory_space<hbm>>
    tpu.enqueue_indirect_dma source(%dma_start3A_6 : memref<100000x16xf32, #tpu.memory_space<hbm>>) target(%arg11 : memref<784x16xf32, #tpu.memory_space<vmem>>) offsets(%arg7 : memref<784xi32, #tpu.memory_space<vmem>>) semaphore(%arg14 : memref<!tpu.dma_semaphore, #tpu.memory_space<semaphore_mem>>)
    %scan3A = arith.constant 0 : i32
    %scan3A_7 = arith.constant 64 : i32
    %scan3A_8 = arith.addi %scan3A, %scan3A_7 : i32
    %scan3A_9 = arith.constant 1 : i32
    scf.for %scan3A_20 = %scan3A to %scan3A_8 step %scan3A_9  : i32 {
      %rem3A = arith.constant 2 : i32
      %rem3A_21 = arith.remsi %scan3A_20, %rem3A : i32
      %eq3A_22 = arith.constant 0 : i32
      %eq3A_23 = arith.cmpi eq, %rem3A_21, %eq3A_22 : i32
      %convert_element_type3A_24 = arith.extui %eq3A_23 : i1 to i32
      %cond3A_25 = arith.constant 0 : i32
      %cond3A_26 = arith.cmpi ne, %convert_element_type3A_24, %cond3A_25 : i32
      scf.if %cond3A_26 {
        %dma_wait3A_34 = arith.constant 0 : i32
        %dma_wait3A_35 = arith.constant 0 : i32
        %dma_wait3A_36 = tpu.memref_slice %arg2[%dma_wait3A_34, %dma_wait3A_35] : memref<100000x16xf32, #tpu.memory_space<hbm>> -> memref<100000x16xf32, #tpu.memory_space<hbm>>
        tpu.wait_indirect_dma semaphore(%arg14 : memref<!tpu.dma_semaphore, #tpu.memory_space<semaphore_mem>>) src(%dma_wait3A_36 : memref<100000x16xf32, #tpu.memory_space<hbm>>) dst(%arg11 : memref<784x16xf32, #tpu.memory_space<vmem>>)
        %ge3A = arith.constant 1 : i32
        %ge3A_37 = arith.cmpi sge, %scan3A_20, %ge3A : i32
        %convert_element_type3A_38 = arith.extui %ge3A_37 : i1 to i32
        %cond3A_39 = arith.constant 0 : i32
        %cond3A_40 = arith.cmpi ne, %convert_element_type3A_38, %cond3A_39 : i32
        scf.if %cond3A_40 {
          %dma_wait3A_49 = arith.constant 0 : i32
          %dma_wait3A_50 = arith.constant 0 : i32
          %dma_wait3A_51 = tpu.memref_slice %arg13[%dma_wait3A_49, %dma_wait3A_50] : memref<100096x16xf32, #tpu.memory_space<vmem_shared>> -> memref<100096x16xf32, #tpu.memory_space<vmem_shared>>
          tpu.wait_indirect_dma semaphore(%arg15 : memref<!tpu.dma_semaphore, #tpu.memory_space<semaphore_mem>>) src(%arg12 : memref<784x16xf32, #tpu.memory_space<vmem>>) dst(%dma_wait3A_51 : memref<100096x16xf32, #tpu.memory_space<vmem_shared>>)
        } else {
        }
        %lt3A_41 = arith.constant 63 : i32
        %lt3A_42 = arith.cmpi slt, %scan3A_20, %lt3A_41 : i32
        %convert_element_type3A_43 = arith.extui %lt3A_42 : i1 to i32
        %cond3A_44 = arith.constant 0 : i32
        %cond3A_45 = arith.cmpi ne, %convert_element_type3A_43, %cond3A_44 : i32
        scf.if %cond3A_45 {
          %add3A_49 = arith.constant 1 : i32
          %add3A_50 = arith.addi %scan3A_20, %add3A_49 : i32
          %mul3A_51 = arith.constant 784 : i32
          %mul3A_52 = arith.muli %add3A_50, %mul3A_51 : i32
          %add3A_53 = arith.addi %mul3A_4, %mul3A_52 : i32
          "tpu.region"() ({
            %run_scoped3A = tpu.sem_alloc : memref<!tpu.dma_semaphore, #tpu.memory_space<semaphore_mem>>
            %dma_start3A_57 = tpu.memref_slice %arg3[%add3A_53] : memref<1605632xi32, #tpu.memory_space<hbm>> -> memref<784xi32, #tpu.memory_space<hbm>>
            %dma_start3A_58 = tpu.memref_slice %arg3[%add3A_53] : memref<1605632xi32, #tpu.memory_space<hbm>> -> memref<784xi32, #tpu.memory_space<hbm>>
            tpu.enqueue_dma source(%dma_start3A_58 : memref<784xi32, #tpu.memory_space<hbm>>) target(%arg8 : memref<784xi32, #tpu.memory_space<vmem>>) target_semaphore(%run_scoped3A : memref<!tpu.dma_semaphore, #tpu.memory_space<semaphore_mem>>)
            %dma_wait3A_59 = tpu.memref_slice %arg3[%add3A_53] : memref<1605632xi32, #tpu.memory_space<hbm>> -> memref<784xi32, #tpu.memory_space<hbm>>
            %dma_wait3A_60 = tpu.memref_slice %arg3[%add3A_53] : memref<1605632xi32, #tpu.memory_space<hbm>> -> memref<784xi32, #tpu.memory_space<hbm>>
            tpu.wait_dma2 semaphore(%run_scoped3A : memref<!tpu.dma_semaphore, #tpu.memory_space<semaphore_mem>>) src(%dma_wait3A_60 : memref<784xi32, #tpu.memory_space<hbm>>) dst(%arg8 : memref<784xi32, #tpu.memory_space<vmem>>)
            tpu.yield
          }) : () -> ()
          "tpu.region"() ({
            %run_scoped3A = tpu.sem_alloc : memref<!tpu.dma_semaphore, #tpu.memory_space<semaphore_mem>>
            %dma_start3A_57 = tpu.memref_slice %arg4[%add3A_53] : memref<1605632xi32, #tpu.memory_space<hbm>> -> memref<784xi32, #tpu.memory_space<hbm>>
            %dma_start3A_58 = tpu.memref_slice %arg4[%add3A_53] : memref<1605632xi32, #tpu.memory_space<hbm>> -> memref<784xi32, #tpu.memory_space<hbm>>
            tpu.enqueue_dma source(%dma_start3A_58 : memref<784xi32, #tpu.memory_space<hbm>>) target(%arg10 : memref<784xi32, #tpu.memory_space<vmem>>) target_semaphore(%run_scoped3A : memref<!tpu.dma_semaphore, #tpu.memory_space<semaphore_mem>>)
            %dma_wait3A_59 = tpu.memref_slice %arg4[%add3A_53] : memref<1605632xi32, #tpu.memory_space<hbm>> -> memref<784xi32, #tpu.memory_space<hbm>>
            %dma_wait3A_60 = tpu.memref_slice %arg4[%add3A_53] : memref<1605632xi32, #tpu.memory_space<hbm>> -> memref<784xi32, #tpu.memory_space<hbm>>
            tpu.wait_dma2 semaphore(%run_scoped3A : memref<!tpu.dma_semaphore, #tpu.memory_space<semaphore_mem>>) src(%dma_wait3A_60 : memref<784xi32, #tpu.memory_space<hbm>>) dst(%arg10 : memref<784xi32, #tpu.memory_space<vmem>>)
            tpu.yield
          }) : () -> ()
          %dma_start3A_54 = arith.constant 0 : i32
          %dma_start3A_55 = arith.constant 0 : i32
          %dma_start3A_56 = tpu.memref_slice %arg2[%dma_start3A_54, %dma_start3A_55] : memref<100000x16xf32, #tpu.memory_space<hbm>> -> memref<100000x16xf32, #tpu.memory_space<hbm>>
          tpu.enqueue_indirect_dma source(%dma_start3A_56 : memref<100000x16xf32, #tpu.memory_space<hbm>>) target(%arg12 : memref<784x16xf32, #tpu.memory_space<vmem>>) offsets(%arg8 : memref<784xi32, #tpu.memory_space<vmem>>) semaphore(%arg14 : memref<!tpu.dma_semaphore, #tpu.memory_space<semaphore_mem>>)
        } else {
        }
        %dma_start3A_46 = arith.constant 0 : i32
        %dma_start3A_47 = arith.constant 0 : i32
        %dma_start3A_48 = tpu.memref_slice %arg13[%dma_start3A_46, %dma_start3A_47] : memref<100096x16xf32, #tpu.memory_space<vmem_shared>> -> memref<100096x16xf32, #tpu.memory_space<vmem_shared>>
        tpu.enqueue_indirect_dma source(%arg11 : memref<784x16xf32, #tpu.memory_space<vmem>>) target(%dma_start3A_48 : memref<100096x16xf32, #tpu.memory_space<vmem_shared>>) offsets(%arg9 : memref<784xi32, #tpu.memory_space<vmem>>) semaphore(%arg15 : memref<!tpu.dma_semaphore, #tpu.memory_space<semaphore_mem>>) {add = true}
      } else {
      }
      %rem3A_27 = arith.constant 2 : i32
      %rem3A_28 = arith.remsi %scan3A_20, %rem3A_27 : i32
      %eq3A_29 = arith.constant 1 : i32
      %eq3A_30 = arith.cmpi eq, %rem3A_28, %eq3A_29 : i32
      %convert_element_type3A_31 = arith.extui %eq3A_30 : i1 to i32
      %cond3A_32 = arith.constant 0 : i32
      %cond3A_33 = arith.cmpi ne, %convert_element_type3A_31, %cond3A_32 : i32
      scf.if %cond3A_33 {
        %dma_wait3A_34 = arith.constant 0 : i32
        %dma_wait3A_35 = arith.constant 0 : i32
        %dma_wait3A_36 = tpu.memref_slice %arg2[%dma_wait3A_34, %dma_wait3A_35] : memref<100000x16xf32, #tpu.memory_space<hbm>> -> memref<100000x16xf32, #tpu.memory_space<hbm>>
        tpu.wait_indirect_dma semaphore(%arg14 : memref<!tpu.dma_semaphore, #tpu.memory_space<semaphore_mem>>) src(%dma_wait3A_36 : memref<100000x16xf32, #tpu.memory_space<hbm>>) dst(%arg12 : memref<784x16xf32, #tpu.memory_space<vmem>>)
        %ge3A = arith.constant 1 : i32
        %ge3A_37 = arith.cmpi sge, %scan3A_20, %ge3A : i32
        %convert_element_type3A_38 = arith.extui %ge3A_37 : i1 to i32
        %cond3A_39 = arith.constant 0 : i32
        %cond3A_40 = arith.cmpi ne, %convert_element_type3A_38, %cond3A_39 : i32
        scf.if %cond3A_40 {
          %dma_wait3A_49 = arith.constant 0 : i32
          %dma_wait3A_50 = arith.constant 0 : i32
          %dma_wait3A_51 = tpu.memref_slice %arg13[%dma_wait3A_49, %dma_wait3A_50] : memref<100096x16xf32, #tpu.memory_space<vmem_shared>> -> memref<100096x16xf32, #tpu.memory_space<vmem_shared>>
          tpu.wait_indirect_dma semaphore(%arg15 : memref<!tpu.dma_semaphore, #tpu.memory_space<semaphore_mem>>) src(%arg11 : memref<784x16xf32, #tpu.memory_space<vmem>>) dst(%dma_wait3A_51 : memref<100096x16xf32, #tpu.memory_space<vmem_shared>>)
        } else {
        }
        %lt3A_41 = arith.constant 63 : i32
        %lt3A_42 = arith.cmpi slt, %scan3A_20, %lt3A_41 : i32
        %convert_element_type3A_43 = arith.extui %lt3A_42 : i1 to i32
        %cond3A_44 = arith.constant 0 : i32
        %cond3A_45 = arith.cmpi ne, %convert_element_type3A_43, %cond3A_44 : i32
        scf.if %cond3A_45 {
          %add3A_49 = arith.constant 1 : i32
          %add3A_50 = arith.addi %scan3A_20, %add3A_49 : i32
          %mul3A_51 = arith.constant 784 : i32
          %mul3A_52 = arith.muli %add3A_50, %mul3A_51 : i32
          %add3A_53 = arith.addi %mul3A_4, %mul3A_52 : i32
          "tpu.region"() ({
            %run_scoped3A = tpu.sem_alloc : memref<!tpu.dma_semaphore, #tpu.memory_space<semaphore_mem>>
            %dma_start3A_57 = tpu.memref_slice %arg3[%add3A_53] : memref<1605632xi32, #tpu.memory_space<hbm>> -> memref<784xi32, #tpu.memory_space<hbm>>
            %dma_start3A_58 = tpu.memref_slice %arg3[%add3A_53] : memref<1605632xi32, #tpu.memory_space<hbm>> -> memref<784xi32, #tpu.memory_space<hbm>>
            tpu.enqueue_dma source(%dma_start3A_58 : memref<784xi32, #tpu.memory_space<hbm>>) target(%arg7 : memref<784xi32, #tpu.memory_space<vmem>>) target_semaphore(%run_scoped3A : memref<!tpu.dma_semaphore, #tpu.memory_space<semaphore_mem>>)
            %dma_wait3A_59 = tpu.memref_slice %arg3[%add3A_53] : memref<1605632xi32, #tpu.memory_space<hbm>> -> memref<784xi32, #tpu.memory_space<hbm>>
            %dma_wait3A_60 = tpu.memref_slice %arg3[%add3A_53] : memref<1605632xi32, #tpu.memory_space<hbm>> -> memref<784xi32, #tpu.memory_space<hbm>>
            tpu.wait_dma2 semaphore(%run_scoped3A : memref<!tpu.dma_semaphore, #tpu.memory_space<semaphore_mem>>) src(%dma_wait3A_60 : memref<784xi32, #tpu.memory_space<hbm>>) dst(%arg7 : memref<784xi32, #tpu.memory_space<vmem>>)
            tpu.yield
          }) : () -> ()
          "tpu.region"() ({
            %run_scoped3A = tpu.sem_alloc : memref<!tpu.dma_semaphore, #tpu.memory_space<semaphore_mem>>
            %dma_start3A_57 = tpu.memref_slice %arg4[%add3A_53] : memref<1605632xi32, #tpu.memory_space<hbm>> -> memref<784xi32, #tpu.memory_space<hbm>>
            %dma_start3A_58 = tpu.memref_slice %arg4[%add3A_53] : memref<1605632xi32, #tpu.memory_space<hbm>> -> memref<784xi32, #tpu.memory_space<hbm>>
            tpu.enqueue_dma source(%dma_start3A_58 : memref<784xi32, #tpu.memory_space<hbm>>) target(%arg9 : memref<784xi32, #tpu.memory_space<vmem>>) target_semaphore(%run_scoped3A : memref<!tpu.dma_semaphore, #tpu.memory_space<semaphore_mem>>)
            %dma_wait3A_59 = tpu.memref_slice %arg4[%add3A_53] : memref<1605632xi32, #tpu.memory_space<hbm>> -> memref<784xi32, #tpu.memory_space<hbm>>
            %dma_wait3A_60 = tpu.memref_slice %arg4[%add3A_53] : memref<1605632xi32, #tpu.memory_space<hbm>> -> memref<784xi32, #tpu.memory_space<hbm>>
            tpu.wait_dma2 semaphore(%run_scoped3A : memref<!tpu.dma_semaphore, #tpu.memory_space<semaphore_mem>>) src(%dma_wait3A_60 : memref<784xi32, #tpu.memory_space<hbm>>) dst(%arg9 : memref<784xi32, #tpu.memory_space<vmem>>)
            tpu.yield
          }) : () -> ()
          %dma_start3A_54 = arith.constant 0 : i32
          %dma_start3A_55 = arith.constant 0 : i32
          %dma_start3A_56 = tpu.memref_slice %arg2[%dma_start3A_54, %dma_start3A_55] : memref<100000x16xf32, #tpu.memory_space<hbm>> -> memref<100000x16xf32, #tpu.memory_space<hbm>>
          tpu.enqueue_indirect_dma source(%dma_start3A_56 : memref<100000x16xf32, #tpu.memory_space<hbm>>) target(%arg11 : memref<784x16xf32, #tpu.memory_space<vmem>>) offsets(%arg7 : memref<784xi32, #tpu.memory_space<vmem>>) semaphore(%arg14 : memref<!tpu.dma_semaphore, #tpu.memory_space<semaphore_mem>>)
        } else {
        }
        %dma_start3A_46 = arith.constant 0 : i32
        %dma_start3A_47 = arith.constant 0 : i32
        %dma_start3A_48 = tpu.memref_slice %arg13[%dma_start3A_46, %dma_start3A_47] : memref<100096x16xf32, #tpu.memory_space<vmem_shared>> -> memref<100096x16xf32, #tpu.memory_space<vmem_shared>>
        tpu.enqueue_indirect_dma source(%arg12 : memref<784x16xf32, #tpu.memory_space<vmem>>) target(%dma_start3A_48 : memref<100096x16xf32, #tpu.memory_space<vmem_shared>>) offsets(%arg10 : memref<784xi32, #tpu.memory_space<vmem>>) semaphore(%arg15 : memref<!tpu.dma_semaphore, #tpu.memory_space<semaphore_mem>>) {add = true}
      } else {
      }
    }
    %scan3A_10 = arith.constant 64 : i32
    %dma_wait3A = arith.constant 0 : i32
    %dma_wait3A_11 = arith.constant 0 : i32
    %dma_wait3A_12 = tpu.memref_slice %arg13[%dma_wait3A, %dma_wait3A_11] : memref<100096x16xf32, #tpu.memory_space<vmem_shared>> -> memref<100096x16xf32, #tpu.memory_space<vmem_shared>>
    tpu.wait_indirect_dma semaphore(%arg15 : memref<!tpu.dma_semaphore, #tpu.memory_space<semaphore_mem>>) src(%arg12 : memref<784x16xf32, #tpu.memory_space<vmem>>) dst(%dma_wait3A_12 : memref<100096x16xf32, #tpu.memory_space<vmem_shared>>)
    %barrier3A_13 = arith.constant 0 : index
    tpu.barrier barrier_id(%barrier3A_13)
    %lt3A = arith.constant 15 : i32
    %lt3A_14 = arith.cmpi slt, %arg1, %lt3A : i32
    %convert_element_type3A = arith.extui %lt3A_14 : i1 to i32
    %cond3A = arith.constant 0 : i32
    %cond3A_15 = arith.cmpi ne, %convert_element_type3A, %cond3A : i32
    scf.if %cond3A_15 {
      %mul3A_20 = arith.constant 6256 : i32
      %mul3A_21 = arith.muli %arg1, %mul3A_20 : i32
      %mul3A_22 = arith.constant 6256 : i32
      %mul3A_23 = arith.muli %arg1, %mul3A_22 : i32
      "tpu.region"() ({
        %run_scoped3A = tpu.sem_alloc : memref<!tpu.dma_semaphore, #tpu.memory_space<semaphore_mem>>
        %dma_start3A_24 = arith.constant 0 : i32
        %dma_start3A_25 = tpu.memref_slice %arg6[%arg0, %mul3A_23, %dma_start3A_24] : memref<2x100000x16xf32, #tpu.memory_space<hbm>> -> memref<1x6256x16xf32, #tpu.memory_space<hbm>>
        %dma_start3A_26 = tpu.memref_squeeze %dma_start3A_25 : memref<1x6256x16xf32, #tpu.memory_space<hbm>> -> memref<6256x16xf32, #tpu.memory_space<hbm>>
        %dma_start3A_27 = arith.constant 0 : i32
        %dma_start3A_28 = tpu.memref_slice %arg13[%mul3A_21, %dma_start3A_27] : memref<100096x16xf32, #tpu.memory_space<vmem_shared>> -> memref<6256x16xf32, #tpu.memory_space<vmem_shared>>
        tpu.enqueue_dma source(%dma_start3A_28 : memref<6256x16xf32, #tpu.memory_space<vmem_shared>>) target(%dma_start3A_26 : memref<6256x16xf32, #tpu.memory_space<hbm>>) target_semaphore(%run_scoped3A : memref<!tpu.dma_semaphore, #tpu.memory_space<semaphore_mem>>)
        %dma_wait3A_29 = arith.constant 0 : i32
        %dma_wait3A_30 = tpu.memref_slice %arg6[%arg0, %mul3A_23, %dma_wait3A_29] : memref<2x100000x16xf32, #tpu.memory_space<hbm>> -> memref<1x6256x16xf32, #tpu.memory_space<hbm>>
        %dma_wait3A_31 = tpu.memref_squeeze %dma_wait3A_30 : memref<1x6256x16xf32, #tpu.memory_space<hbm>> -> memref<6256x16xf32, #tpu.memory_space<hbm>>
        %dma_wait3A_32 = arith.constant 0 : i32
        %dma_wait3A_33 = tpu.memref_slice %arg13[%mul3A_21, %dma_wait3A_32] : memref<100096x16xf32, #tpu.memory_space<vmem_shared>> -> memref<6256x16xf32, #tpu.memory_space<vmem_shared>>
        tpu.wait_dma2 semaphore(%run_scoped3A : memref<!tpu.dma_semaphore, #tpu.memory_space<semaphore_mem>>) src(%dma_wait3A_33 : memref<6256x16xf32, #tpu.memory_space<vmem_shared>>) dst(%dma_wait3A_31 : memref<6256x16xf32, #tpu.memory_space<hbm>>)
        tpu.yield
      }) : () -> ()
    } else {
    }
    %eq3A = arith.constant 15 : i32
    %eq3A_16 = arith.cmpi eq, %arg1, %eq3A : i32
    %convert_element_type3A_17 = arith.extui %eq3A_16 : i1 to i32
    %cond3A_18 = arith.constant 0 : i32
    %cond3A_19 = arith.cmpi ne, %convert_element_type3A_17, %cond3A_18 : i32
    scf.if %cond3A_19 {
      "tpu.region"() ({
        %run_scoped3A = tpu.sem_alloc : memref<!tpu.dma_semaphore, #tpu.memory_space<semaphore_mem>>
        %dma_start3A_20 = arith.constant 93840 : i32
        %dma_start3A_21 = arith.constant 0 : i32
        %dma_start3A_22 = tpu.memref_slice %arg6[%arg0, %dma_start3A_20, %dma_start3A_21] : memref<2x100000x16xf32, #tpu.memory_space<hbm>> -> memref<1x6160x16xf32, #tpu.memory_space<hbm>>
        %dma_start3A_23 = tpu.memref_squeeze %dma_start3A_22 : memref<1x6160x16xf32, #tpu.memory_space<hbm>> -> memref<6160x16xf32, #tpu.memory_space<hbm>>
        %dma_start3A_24 = arith.constant 93840 : i32
        %dma_start3A_25 = arith.constant 0 : i32
        %dma_start3A_26 = tpu.memref_slice %arg13[%dma_start3A_24, %dma_start3A_25] : memref<100096x16xf32, #tpu.memory_space<vmem_shared>> -> memref<6160x16xf32, #tpu.memory_space<vmem_shared>>
        tpu.enqueue_dma source(%dma_start3A_26 : memref<6160x16xf32, #tpu.memory_space<vmem_shared>>) target(%dma_start3A_23 : memref<6160x16xf32, #tpu.memory_space<hbm>>) target_semaphore(%run_scoped3A : memref<!tpu.dma_semaphore, #tpu.memory_space<semaphore_mem>>)
        %dma_wait3A_27 = arith.constant 93840 : i32
        %dma_wait3A_28 = arith.constant 0 : i32
        %dma_wait3A_29 = tpu.memref_slice %arg6[%arg0, %dma_wait3A_27, %dma_wait3A_28] : memref<2x100000x16xf32, #tpu.memory_space<hbm>> -> memref<1x6160x16xf32, #tpu.memory_space<hbm>>
        %dma_wait3A_30 = tpu.memref_squeeze %dma_wait3A_29 : memref<1x6160x16xf32, #tpu.memory_space<hbm>> -> memref<6160x16xf32, #tpu.memory_space<hbm>>
        %dma_wait3A_31 = arith.constant 93840 : i32
        %dma_wait3A_32 = arith.constant 0 : i32
        %dma_wait3A_33 = tpu.memref_slice %arg13[%dma_wait3A_31, %dma_wait3A_32] : memref<100096x16xf32, #tpu.memory_space<vmem_shared>> -> memref<6160x16xf32, #tpu.memory_space<vmem_shared>>
        tpu.wait_dma2 semaphore(%run_scoped3A : memref<!tpu.dma_semaphore, #tpu.memory_space<semaphore_mem>>) src(%dma_wait3A_33 : memref<6160x16xf32, #tpu.memory_space<vmem_shared>>) dst(%dma_wait3A_30 : memref<6160x16xf32, #tpu.memory_space<hbm>>)
        tpu.yield
      }) : () -> ()
    } else {
    }
    return
  }
}

module attributes {stable_mosaic.version = 14 : i64} {
  func.func @_dinv_body(%arg0: memref<2x100352xf32, #tpu.memory_space<vmem>>, %arg1: memref<1x100352xf32, #tpu.memory_space<vmem>>) attributes {dimension_semantics = [], scalar_prefetch = 0 : i64, scratch_operands = 0 : i64, tpu.core_type = #tpu.core_type<tc>} {
    %get3A = arith.constant 0 : index
    %get3A_0 = arith.constant 0 : index
    %get3A_1 = vector.load %arg0[%get3A, %get3A_0] : memref<2x100352xf32, #tpu.memory_space<vmem>>, vector<2x100352xf32>
    %reduce_sum3A = arith.constant dense<0.000000e+00> : vector<100352xf32>
    %reduce_sum3A_2 = vector.multi_reduction <add>, %get3A_1, %reduce_sum3A [0] : vector<2x100352xf32> to vector<100352xf32>
    %broadcast_in_dim3A = vector.shape_cast %reduce_sum3A_2 : vector<100352xf32> to vector<1x100352xf32>
    %add3A = arith.constant 1.000000e+00 : f32
    %add3A_3 = vector.broadcast %add3A : f32 to vector<1x100352xf32>
    %add3A_4 = arith.addf %broadcast_in_dim3A, %add3A_3 : vector<1x100352xf32>
    %rsqrt3A = math.rsqrt %add3A_4 : vector<1x100352xf32>
    %swap3A = arith.constant 0 : index
    %swap3A_5 = arith.constant 0 : index
    %swap3A_6 = vector.load %arg1[%swap3A, %swap3A_5] : memref<1x100352xf32, #tpu.memory_space<vmem>>, vector<1x100352xf32>
    tpu.vector_store %arg1[%swap3A, %swap3A_5], %rsqrt3A {strides = array<i32>} : memref<1x100352xf32, #tpu.memory_space<vmem>>, vector<1x100352xf32>,
    return
  }
}

module attributes {stable_mosaic.version = 14 : i64} {
  func.func @_k1_body(%arg0: i32, %arg1: memref<1433x2048xf32, #tpu.memory_space<vmem>>, %arg2: memref<1433x32xf32, #tpu.memory_space<vmem>>, %arg3: memref<2048x1xf32, #tpu.memory_space<vmem>>, %arg4: memref<2048x16xf32, #tpu.memory_space<vmem>>, %arg5: memref<2048x16xf32, #tpu.memory_space<vmem>>) attributes {dimension_semantics = [#tpu.dimension_semantics<arbitrary>], iteration_bounds = array<i64: 49>, scalar_prefetch = 0 : i64, scratch_operands = 0 : i64, tpu.core_type = #tpu.core_type<tc>, window_params = [{transform_indices = @transform_0, window_bounds = array<i64: 1433, 2048>}, {pipeline_mode = #tpu.pipeline_mode<synchronous>, transform_indices = @transform_1, window_bounds = array<i64: 1433, 32>}, {transform_indices = @transform_2, window_bounds = array<i64: 2048, 1>}, {transform_indices = @transform_3, window_bounds = array<i64: 2048, 16>}, {transform_indices = @transform_4, window_bounds = array<i64: 2048, 16>}]} {
    %get3A = arith.constant 0 : index
    %get3A_0 = arith.constant 0 : index
    %get3A_1 = vector.load %arg1[%get3A, %get3A_0] : memref<1433x2048xf32, #tpu.memory_space<vmem>>, vector<1433x2048xf32>
    %convert_element_type3A = arith.truncf %get3A_1 : vector<1433x2048xf32> to vector<1433x2048xbf16>
    %get3A_2 = arith.constant 0 : index
    %get3A_3 = arith.constant 0 : index
    %get3A_4 = vector.load %arg2[%get3A_2, %get3A_3] : memref<1433x32xf32, #tpu.memory_space<vmem>>, vector<1433x32xf32>
    %convert_element_type3A_5 = arith.truncf %get3A_4 : vector<1433x32xf32> to vector<1433x32xbf16>
    %dot_general3A = arith.constant dense<0.000000e+00> : vector<2048x32xf32>
    %dot_general3A_6 = tpu.matmul %convert_element_type3A, %convert_element_type3A_5, %dot_general3A {dimension_numbers = #tpu.dot_dimension_numbers<[0], [0], [1], [1], [0, 1, 1, 1], [], []>, transpose_lhs_hint = false} : vector<1433x2048xbf16>, vector<1433x32xbf16>, vector<2048x32xf32> -> vector<2048x32xf32>
    %get3A_7 = arith.constant 0 : index
    %get3A_8 = arith.constant 0 : index
    %get3A_9 = vector.load %arg3[%get3A_7, %get3A_8] : memref<2048x1xf32, #tpu.memory_space<vmem>>, vector<2048x1xf32>
    %mul3A = vector.broadcast %get3A_9 : vector<2048x1xf32> to vector<2048x32xf32>
    %mul3A_10 = arith.mulf %dot_general3A_6, %mul3A : vector<2048x32xf32>
    %slice3A = vector.extract_strided_slice %mul3A_10 {offsets = [0, 0], sizes = [2048, 16], strides = [1, 1]} : vector<2048x32xf32> to vector<2048x16xf32>
    %swap3A = arith.constant 0 : index
    %swap3A_11 = arith.constant 0 : index
    %swap3A_12 = vector.load %arg4[%swap3A, %swap3A_11] : memref<2048x16xf32, #tpu.memory_space<vmem>>, vector<2048x16xf32>
    tpu.vector_store %arg4[%swap3A, %swap3A_11], %slice3A {strides = array<i32>} : memref<2048x16xf32, #tpu.memory_space<vmem>>, vector<2048x16xf32>,
    %slice3A_13 = vector.extract_strided_slice %mul3A_10 {offsets = [0, 16], sizes = [2048, 16], strides = [1, 1]} : vector<2048x32xf32> to vector<2048x16xf32>
    %swap3A_14 = arith.constant 0 : index
    %swap3A_15 = arith.constant 0 : index
    %swap3A_16 = vector.load %arg5[%swap3A_14, %swap3A_15] : memref<2048x16xf32, #tpu.memory_space<vmem>>, vector<2048x16xf32>
    tpu.vector_store %arg5[%swap3A_14, %swap3A_15], %slice3A_13 {strides = array<i32>} : memref<2048x16xf32, #tpu.memory_space<vmem>>, vector<2048x16xf32>,
    return
  }
  func.func @transform_0(%arg0: i32) -> (i32, i32) {
    %c0_i32 = arith.constant 0 : i32
    %c0_i32_0 = arith.constant 0 : i32
    return %c0_i32, %arg0 : i32, i32
  }
  func.func @transform_1(%arg0: i32) -> (i32, i32) {
    %c0_i32 = arith.constant 0 : i32
    %c0_i32_0 = arith.constant 0 : i32
    %c0_i32_1 = arith.constant 0 : i32
    return %c0_i32, %c0_i32_0 : i32, i32
  }
  func.func @transform_2(%arg0: i32) -> (i32, i32) {
    %c0_i32 = arith.constant 0 : i32
    %c0_i32_0 = arith.constant 0 : i32
    return %arg0, %c0_i32 : i32, i32
  }
  func.func @transform_3(%arg0: i32) -> (i32, i32) {
    %c0_i32 = arith.constant 0 : i32
    %c0_i32_0 = arith.constant 0 : i32
    return %arg0, %c0_i32 : i32, i32
  }
  func.func @transform_4(%arg0: i32) -> (i32, i32) {
    %c0_i32 = arith.constant 0 : i32
    %c0_i32_0 = arith.constant 0 : i32
    return %arg0, %c0_i32 : i32, i32
  }
}

module attributes {stable_mosaic.version = 14 : i64} {
  func.func @_k2_body(%arg0: i32, %arg1: memref<2048x16xf32, #tpu.memory_space<vmem>>, %arg2: memref<2048x16xf32, #tpu.memory_space<vmem>>, %arg3: memref<2x2048x16xf32, #tpu.memory_space<vmem>>, %arg4: memref<2048x1xf32, #tpu.memory_space<vmem>>, %arg5: memref<32x16xf32, #tpu.memory_space<vmem>>, %arg6: memref<1x32xf32, #tpu.memory_space<vmem>>, %arg7: memref<2048x16xf32, #tpu.memory_space<vmem>>) attributes {dimension_semantics = [#tpu.dimension_semantics<arbitrary>], iteration_bounds = array<i64: 49>, scalar_prefetch = 0 : i64, scratch_operands = 0 : i64, tpu.core_type = #tpu.core_type<tc>, window_params = [{transform_indices = @transform_0, window_bounds = array<i64: 2048, 16>}, {transform_indices = @transform_1, window_bounds = array<i64: 2048, 16>}, {transform_indices = @transform_2, window_bounds = array<i64: 2, 2048, 16>}, {transform_indices = @transform_3, window_bounds = array<i64: 2048, 1>}, {pipeline_mode = #tpu.pipeline_mode<synchronous>, transform_indices = @transform_4, window_bounds = array<i64: 32, 16>}, {pipeline_mode = #tpu.pipeline_mode<synchronous>, transform_indices = @transform_5, window_bounds = array<i64: 1, 32>}, {transform_indices = @transform_6, window_bounds = array<i64: 2048, 16>}]} {
    %get3A = arith.constant 0 : index
    %get3A_0 = arith.constant 0 : index
    %get3A_1 = vector.load %arg4[%get3A, %get3A_0] : memref<2048x1xf32, #tpu.memory_space<vmem>>, vector<2048x1xf32>
    %get3A_2 = arith.constant 0 : index
    %get3A_3 = arith.constant 0 : index
    %get3A_4 = vector.load %arg6[%get3A_2, %get3A_3] : memref<1x32xf32, #tpu.memory_space<vmem>>, vector<1x32xf32>
    %get3A_5 = arith.constant 0 : index
    %get3A_6 = arith.constant 0 : index
    %get3A_7 = arith.constant 0 : index
    %get3A_8 = vector.load %arg3[%get3A_5, %get3A_6, %get3A_7] : memref<2x2048x16xf32, #tpu.memory_space<vmem>>, vector<1x2048x16xf32>
    %get3A_9 = vector.shape_cast %get3A_8 : vector<1x2048x16xf32> to vector<2048x16xf32>
    %get3A_10 = arith.constant 0 : index
    %get3A_11 = arith.constant 0 : index
    %get3A_12 = vector.load %arg1[%get3A_10, %get3A_11] : memref<2048x16xf32, #tpu.memory_space<vmem>>, vector<2048x16xf32>
    %add3A = arith.addf %get3A_9, %get3A_12 : vector<2048x16xf32>
    %mul3A = vector.broadcast %get3A_1 : vector<2048x1xf32> to vector<2048x16xf32>
    %mul3A_13 = arith.mulf %add3A, %mul3A : vector<2048x16xf32>
    %slice3A = vector.extract_strided_slice %get3A_4 {offsets = [0, 0], sizes = [1, 16], strides = [1, 1]} : vector<1x32xf32> to vector<1x16xf32>
    %add3A_14 = vector.broadcast %slice3A : vector<1x16xf32> to vector<2048x16xf32>
    %add3A_15 = arith.addf %mul3A_13, %add3A_14 : vector<2048x16xf32>
    %get3A_16 = arith.constant 1 : index
    %get3A_17 = arith.constant 0 : index
    %get3A_18 = arith.constant 0 : index
    %get3A_19 = vector.load %arg3[%get3A_16, %get3A_17, %get3A_18] : memref<2x2048x16xf32, #tpu.memory_space<vmem>>, vector<1x2048x16xf32>
    %get3A_20 = vector.shape_cast %get3A_19 : vector<1x2048x16xf32> to vector<2048x16xf32>
    %get3A_21 = arith.constant 0 : index
    %get3A_22 = arith.constant 0 : index
    %get3A_23 = vector.load %arg2[%get3A_21, %get3A_22] : memref<2048x16xf32, #tpu.memory_space<vmem>>, vector<2048x16xf32>
    %add3A_24 = arith.addf %get3A_20, %get3A_23 : vector<2048x16xf32>
    %mul3A_25 = vector.broadcast %get3A_1 : vector<2048x1xf32> to vector<2048x16xf32>
    %mul3A_26 = arith.mulf %add3A_24, %mul3A_25 : vector<2048x16xf32>
    %slice3A_27 = vector.extract_strided_slice %get3A_4 {offsets = [0, 16], sizes = [1, 16], strides = [1, 1]} : vector<1x32xf32> to vector<1x16xf32>
    %add3A_28 = vector.broadcast %slice3A_27 : vector<1x16xf32> to vector<2048x16xf32>
    %add3A_29 = arith.addf %mul3A_26, %add3A_28 : vector<2048x16xf32>
    %max3A = arith.constant 0.000000e+00 : f32
    %max3A_30 = vector.broadcast %max3A : f32 to vector<2048x16xf32>
    %max3A_31 = arith.maximumf %add3A_15, %max3A_30 : vector<2048x16xf32>
    %convert_element_type3A = arith.truncf %max3A_31 : vector<2048x16xf32> to vector<2048x16xbf16>
    %max3A_32 = arith.constant 0.000000e+00 : f32
    %max3A_33 = vector.broadcast %max3A_32 : f32 to vector<2048x16xf32>
    %max3A_34 = arith.maximumf %add3A_29, %max3A_33 : vector<2048x16xf32>
    %convert_element_type3A_35 = arith.truncf %max3A_34 : vector<2048x16xf32> to vector<2048x16xbf16>
    %get3A_36 = arith.constant 0 : index
    %get3A_37 = arith.constant 0 : index
    %get3A_38 = vector.load %arg5[%get3A_36, %get3A_37] : memref<32x16xf32, #tpu.memory_space<vmem>>, vector<32x16xf32>
    %convert_element_type3A_39 = arith.truncf %get3A_38 : vector<32x16xf32> to vector<32x16xbf16>
    %slice3A_40 = vector.extract_strided_slice %convert_element_type3A_39 {offsets = [0, 0], sizes = [16, 16], strides = [1, 1]} : vector<32x16xbf16> to vector<16x16xbf16>
    %dot_general3A = arith.constant dense<0.000000e+00> : vector<2048x16xf32>
    %dot_general3A_41 = tpu.matmul %convert_element_type3A, %slice3A_40, %dot_general3A {dimension_numbers = #tpu.dot_dimension_numbers<[1], [0], [0], [1], [0, 0, 1, 1], [], []>, transpose_lhs_hint = false} : vector<2048x16xbf16>, vector<16x16xbf16>, vector<2048x16xf32> -> vector<2048x16xf32>
    %slice3A_42 = vector.extract_strided_slice %convert_element_type3A_39 {offsets = [16, 0], sizes = [16, 16], strides = [1, 1]} : vector<32x16xbf16> to vector<16x16xbf16>
    %dot_general3A_43 = arith.constant dense<0.000000e+00> : vector<2048x16xf32>
    %dot_general3A_44 = tpu.matmul %convert_element_type3A_35, %slice3A_42, %dot_general3A_43 {dimension_numbers = #tpu.dot_dimension_numbers<[1], [0], [0], [1], [0, 0, 1, 1], [], []>, transpose_lhs_hint = false} : vector<2048x16xbf16>, vector<16x16xbf16>, vector<2048x16xf32> -> vector<2048x16xf32>
    %add3A_45 = arith.addf %dot_general3A_41, %dot_general3A_44 : vector<2048x16xf32>
    %mul3A_46 = vector.broadcast %get3A_1 : vector<2048x1xf32> to vector<2048x16xf32>
    %mul3A_47 = arith.mulf %add3A_45, %mul3A_46 : vector<2048x16xf32>
    %swap3A = arith.constant 0 : index
    %swap3A_48 = arith.constant 0 : index
    %swap3A_49 = vector.load %arg7[%swap3A, %swap3A_48] : memref<2048x16xf32, #tpu.memory_space<vmem>>, vector<2048x16xf32>
    tpu.vector_store %arg7[%swap3A, %swap3A_48], %mul3A_47 {strides = array<i32>} : memref<2048x16xf32, #tpu.memory_space<vmem>>, vector<2048x16xf32>,
    return
  }
  func.func @transform_0(%arg0: i32) -> (i32, i32) {
    %c0_i32 = arith.constant 0 : i32
    %c0_i32_0 = arith.constant 0 : i32
    return %arg0, %c0_i32 : i32, i32
  }
  func.func @transform_1(%arg0: i32) -> (i32, i32) {
    %c0_i32 = arith.constant 0 : i32
    %c0_i32_0 = arith.constant 0 : i32
    return %arg0, %c0_i32 : i32, i32
  }
  func.func @transform_2(%arg0: i32) -> (i32, i32, i32) {
    %c0_i32 = arith.constant 0 : i32
    %c0_i32_0 = arith.constant 0 : i32
    %c0_i32_1 = arith.constant 0 : i32
    return %c0_i32, %arg0, %c0_i32_0 : i32, i32, i32
  }
  func.func @transform_3(%arg0: i32) -> (i32, i32) {
    %c0_i32 = arith.constant 0 : i32
    %c0_i32_0 = arith.constant 0 : i32
    return %arg0, %c0_i32 : i32, i32
  }
  func.func @transform_4(%arg0: i32) -> (i32, i32) {
    %c0_i32 = arith.constant 0 : i32
    %c0_i32_0 = arith.constant 0 : i32
    %c0_i32_1 = arith.constant 0 : i32
    return %c0_i32, %c0_i32_0 : i32, i32
  }
  func.func @transform_5(%arg0: i32) -> (i32, i32) {
    %c0_i32 = arith.constant 0 : i32
    %c0_i32_0 = arith.constant 0 : i32
    %c0_i32_1 = arith.constant 0 : i32
    return %c0_i32, %c0_i32_0 : i32, i32
  }
  func.func @transform_6(%arg0: i32) -> (i32, i32) {
    %c0_i32 = arith.constant 0 : i32
    %c0_i32_0 = arith.constant 0 : i32
    return %arg0, %c0_i32 : i32, i32
  }
}

module attributes {stable_mosaic.version = 14 : i64} {
  func.func @_k3_body(%arg0: i32, %arg1: memref<2048x16xf32, #tpu.memory_space<vmem>>, %arg2: memref<2x2048x16xf32, #tpu.memory_space<vmem>>, %arg3: memref<2048x1xf32, #tpu.memory_space<vmem>>, %arg4: memref<1x7xf32, #tpu.memory_space<vmem>>, %arg5: memref<7x2048xf32, #tpu.memory_space<vmem>>) attributes {dimension_semantics = [#tpu.dimension_semantics<arbitrary>], iteration_bounds = array<i64: 49>, scalar_prefetch = 0 : i64, scratch_operands = 0 : i64, tpu.core_type = #tpu.core_type<tc>, window_params = [{transform_indices = @transform_0, window_bounds = array<i64: 2048, 16>}, {transform_indices = @transform_1, window_bounds = array<i64: 2, 2048, 16>}, {transform_indices = @transform_2, window_bounds = array<i64: 2048, 1>}, {pipeline_mode = #tpu.pipeline_mode<synchronous>, transform_indices = @transform_3, window_bounds = array<i64: 1, 7>}, {transform_indices = @transform_4, window_bounds = array<i64: 7, 2048>}]} {
    %get3A = arith.constant 0 : index
    %get3A_0 = arith.constant 0 : index
    %get3A_1 = arith.constant 0 : index
    %get3A_2 = vector.load %arg2[%get3A, %get3A_0, %get3A_1] : memref<2x2048x16xf32, #tpu.memory_space<vmem>>, vector<1x2048x16xf32>
    %get3A_3 = vector.shape_cast %get3A_2 : vector<1x2048x16xf32> to vector<2048x16xf32>
    %get3A_4 = arith.constant 1 : index
    %get3A_5 = arith.constant 0 : index
    %get3A_6 = arith.constant 0 : index
    %get3A_7 = vector.load %arg2[%get3A_4, %get3A_5, %get3A_6] : memref<2x2048x16xf32, #tpu.memory_space<vmem>>, vector<1x2048x16xf32>
    %get3A_8 = vector.shape_cast %get3A_7 : vector<1x2048x16xf32> to vector<2048x16xf32>
    %add3A = arith.addf %get3A_3, %get3A_8 : vector<2048x16xf32>
    %get3A_9 = arith.constant 0 : index
    %get3A_10 = arith.constant 0 : index
    %get3A_11 = vector.load %arg1[%get3A_9, %get3A_10] : memref<2048x16xf32, #tpu.memory_space<vmem>>, vector<2048x16xf32>
    %add3A_12 = arith.addf %add3A, %get3A_11 : vector<2048x16xf32>
    %get3A_13 = arith.constant 0 : index
    %get3A_14 = arith.constant 0 : index
    %get3A_15 = vector.load %arg3[%get3A_13, %get3A_14] : memref<2048x1xf32, #tpu.memory_space<vmem>>, vector<2048x1xf32>
    %mul3A = vector.broadcast %get3A_15 : vector<2048x1xf32> to vector<2048x16xf32>
    %mul3A_16 = arith.mulf %add3A_12, %mul3A : vector<2048x16xf32>
    %slice3A = vector.extract_strided_slice %mul3A_16 {offsets = [0, 0], sizes = [2048, 7], strides = [1, 1]} : vector<2048x16xf32> to vector<2048x7xf32>
    %get3A_17 = arith.constant 0 : index
    %get3A_18 = arith.constant 0 : index
    %get3A_19 = vector.load %arg4[%get3A_17, %get3A_18] : memref<1x7xf32, #tpu.memory_space<vmem>>, vector<1x7xf32>
    %add3A_20 = vector.broadcast %get3A_19 : vector<1x7xf32> to vector<2048x7xf32>
    %add3A_21 = arith.addf %slice3A, %add3A_20 : vector<2048x7xf32>
    %transpose3A = tpu.transpose %add3A_21, [1, 0] : vector<2048x7xf32> -> vector<7x2048xf32>
    %swap3A = arith.constant 0 : index
    %swap3A_22 = arith.constant 0 : index
    %swap3A_23 = vector.load %arg5[%swap3A, %swap3A_22] : memref<7x2048xf32, #tpu.memory_space<vmem>>, vector<7x2048xf32>
    tpu.vector_store %arg5[%swap3A, %swap3A_22], %transpose3A {strides = array<i32>} : memref<7x2048xf32, #tpu.memory_space<vmem>>, vector<7x2048xf32>,
    return
  }
  func.func @transform_0(%arg0: i32) -> (i32, i32) {
    %c0_i32 = arith.constant 0 : i32
    %c0_i32_0 = arith.constant 0 : i32
    return %arg0, %c0_i32 : i32, i32
  }
  func.func @transform_1(%arg0: i32) -> (i32, i32, i32) {
    %c0_i32 = arith.constant 0 : i32
    %c0_i32_0 = arith.constant 0 : i32
    %c0_i32_1 = arith.constant 0 : i32
    return %c0_i32, %arg0, %c0_i32_0 : i32, i32, i32
  }
  func.func @transform_2(%arg0: i32) -> (i32, i32) {
    %c0_i32 = arith.constant 0 : i32
    %c0_i32_0 = arith.constant 0 : i32
    return %arg0, %c0_i32 : i32, i32
  }
  func.func @transform_3(%arg0: i32) -> (i32, i32) {
    %c0_i32 = arith.constant 0 : i32
    %c0_i32_0 = arith.constant 0 : i32
    %c0_i32_1 = arith.constant 0 : i32
    return %c0_i32, %c0_i32_0 : i32, i32
  }
  func.func @transform_4(%arg0: i32) -> (i32, i32) {
    %c0_i32 = arith.constant 0 : i32
    %c0_i32_0 = arith.constant 0 : i32
    return %c0_i32, %arg0 : i32, i32
  }
}

</mosaic_0001>

<sc_bundles>
// kernel: kernel.12.cloned.1.call-start
scs
__scs_entry_jumppad:
0x0: {  	(pc) =	sbr.rel $0x88, $3  }
0x1: {  	(tag) =	ssettag $0x0;
	lr =	simm.s32 $0x1  }
0x2: {  	[smem:$0x3F9B] =	sst lr;
	_ =	strace $0xD0000000  }
0x3: {  	_ = 	snop  }
0x4: {  	_ = 	snop  }
0x5: {  	_ = 	snop  }
0x6: {  	_ = 	snop  }
0x7: {  	_ = 	snop  }
__scs_overlays_trampoline_lowered:
0x8: {  	[smem:$0x3FAA] =	sst s0  }
0x9: {  	[smem:$0x3FAB] =	sst s1  }
0xa: {  	[smem:$0x3FAC] =	sst s2  }
0xb: {  	[smem:$0x3FAD] =	sst s3  }
0xc: {  	[smem:$0x3FAE] =	sst s4  }
0xd: {  	[smem:$0x3FAF] =	sst s5  }
0xe: {  	[smem:$0x3FB0] =	sst s6  }
0xf: {  	[smem:$0x3FB1] =	sst s7  }
0x10: {  	[smem:$0x3FB2] =	sst s8  }
0x11: {  	[smem:$0x3FB3] =	sst s9;
	s0 =	simm.s32 @!p0 $0x0  }
0x12: {  	s1 =	sld [smem:$0x3F99];
	s0 =	simm.s32 @p0 $0x1  }
0x13: {  	[smem:$0x3FB4] =	sst s0;
	s0 =	simm.s32 @!p1 $0x0  }
0x14: {  	s2 =	sld [smem:$0x3F98];
	s0 =	simm.s32 @p1 $0x1  }
0x15: {  	[smem:$0x3FB5] =	sst s0;
	s0 =	simm.s32 @!p2 $0x0  }
0x16: {  	s3 =	sld [smem:$0x3FDB];
	s0 =	simm.s32 @p2 $0x1  }
0x17: {  	s4 =	simm.s32 $0x1BF5;
	[smem:$0x3FB7] =	sst s0  }
0x18: {  	s0 =	sld [smem:$0x3F9A];
	_ =	swait.ge [sflag:s4], $0x0  }
0x19: {  	s7 =	sld [smem:$0x3F9B]  }
0x1a: {  	s8 =	sadd.s32 $0xFFFFE003, lr  }
0x1b: {  	s9 =	sadd.s32 $0xFFFFFEF7, lr;
	s5 =	simm.s32 $0xFFFFFFFF;
	p2 =	slt.u32 s8, $0xFFFFF086  }
0x1c: {  	p1 =	slt.u32 s9, $0xF7A;
	s5 =	simm.s32 @!p2 $0x0  }
0x1d: {  	s5 =	simm.s32 @p1 $0x1;
	p0 =	seq.s32 s7, s2  }
0x1e: {  	s7 =	smul.u32 @!p0 $0xF7A, s2;
	p2 =	seq.s32 @!p0 s5, $0x0  }
0x1f: {  	s9 =	smul.u32 $0xF7A, s1;
	s8 =	simm.s32 @!p0 $0x1BF5;
	p2 =	por !p2, p0  }
0x20: {  	[sflag:s8] =	ssyncset.s32 @!p0 $0xFFFFF086;
	s6 =	sadd.s32 @!p0 s3, s7;
	s7 =	simm.s32 @!p0 $0x108  }
0x21: {  	s3 =	sadd.s32 s3, s9;
	s6 =	sadd.s32 @!p0 $0x88, s6;
	s7 =	simm.s32 @p2 $0x1082  }
0x22: {  	[simem:s7], [sflag:s8] =	dma.local @!p0 [hbm:s6], $0xF7A  }
0x23: {  	s9 =	sor.u32 $0xD0000000, s2;
	s6 =	simm.s32 $0x108;
	_ =	swait.ge @!p0 [sflag:s8], $0x0  }
0x24: {  	s3 =	sadd.s32 $0x88, s3;
	s6 =	simm.s32 @!p1 $0x1082;
	[sflag:s4] =	ssyncset.s32 $0xFFFFF086  }
0x25: {  	[simem:s6], [sflag:s4] =	dma.local [hbm:s3], $0xF7A  }
0x26: {  	[smem:$0x3F9B] =	sst s1;
	(tag) =	ssettag s2;
	_ =	strace s9  }
0x27: {  	s1 =	sld [smem:$0x3FAB]  }
0x28: {  	s2 =	sld [smem:$0x3FAC]  }
0x29: {  	s4 =	sld [smem:$0x3FAE]  }
0x2a: {  	p0 =	seq.s32 s5, $0x0;
	s5 =	sld [smem:$0x3FAF]  }
0x2b: {  	s6 =	sld [smem:$0x3FB0]  }
0x2c: {  	s7 =	sld [smem:$0x3FB1]  }
0x2d: {  	s3 =	simm.s32 $0x108;
	s8 =	sld [smem:$0x3FB2]  }
0x2e: {  	s3 =	simm.s32 @!p0 $0x1082;
	s9 =	sld [smem:$0x3FB3]  }
0x2f: {  	lr =	sadd.s32 s0, s3;
	s0 =	sld [smem:$0x3FAA]  }
0x30: {  	s3 =	sld [smem:$0x3FAD]  }
0x31: {  	[smem:$0x3FB6] =	sst s10  }
0x32: {  	s10 =	sld [smem:$0x3FB4];
	_ =	sdelay $0x3  }
0x33: {  	p0 =	seq.s32 s10, $0x1;
	s10 =	sld [smem:$0x3FB6];
	_ =	sdelay $0x3  }
0x34: {  	[smem:$0x3FB6] =	sst s10  }
0x35: {  	s10 =	sld [smem:$0x3FB5];
	_ =	sdelay $0x3  }
0x36: {  	p1 =	seq.s32 s10, $0x1;
	s10 =	sld [smem:$0x3FB6];
	_ =	sdelay $0x3  }
0x37: {  	[smem:$0x3FB6] =	sst s10  }
0x38: {  	s10 =	sld [smem:$0x3FB7]  }
0x39: {  	_ = 	snop;
	(pc) =	sbr.ind lr, $3  }
0x3a: {  	_ = 	snop  }
0x3b: {  	_ = 	snop  }
0x3c: {  	p2 =	seq.s32 s10, $0x1;
	s10 =	sld [smem:$0x3FB6]  }
0x3d: {  	_ =	shalt  }
0x3e: {  	_ =	shalt  }
0x3f: {  	_ =	shalt  }
0x40: {  	_ =	shalt  }
0x41: {  	_ =	shalt  }
0x42: {  	_ =	shalt  }
0x43: {  	_ =	shalt  }
0x44: {  	_ =	shalt  }
0x45: {  	_ =	shalt  }
0x46: {  	_ =	shalt  }
0x47: {  	_ =	shalt  }
0x48: {  	_ =	shalt  }
0x49: {  	_ =	shalt  }
0x4a: {  	_ =	shalt  }
0x4b: {  	_ =	shalt  }
0x4c: {  	_ =	shalt  }
0x4d: {  	_ =	shalt  }
0x4e: {  	_ =	shalt  }
0x4f: {  	_ =	shalt  }
0x50: {  	_ =	shalt  }
0x51: {  	_ =	shalt  }
0x52: {  	_ =	shalt  }
0x53: {  	_ =	shalt  }
0x54: {  	_ =	shalt  }
0x55: {  	_ =	shalt  }
0x56: {  	_ =	shalt  }
0x57: {  	_ =	shalt  }
0x58: {  	_ =	shalt  }
0x59: {  	_ =	shalt  }
0x5a: {  	_ =	shalt  }
0x5b: {  	_ =	shalt  }
0x5c: {  	_ =	shalt  }
0x5d: {  	_ =	shalt  }
0x5e: {  	_ =	shalt  }
0x5f: {  	_ =	shalt  }
0x60: {  	_ =	shalt  }
0x61: {  	_ =	shalt  }
0x62: {  	_ =	shalt  }
0x63: {  	_ =	shalt  }
0x64: {  	_ =	shalt  }
0x65: {  	_ =	shalt  }
0x66: {  	_ =	shalt  }
0x67: {  	_ =	shalt  }
0x68: {  	_ =	shalt  }
0x69: {  	_ =	shalt  }
0x6a: {  	_ =	shalt  }
0x6b: {  	_ =	shalt  }
0x6c: {  	_ =	shalt  }
0x6d: {  	_ =	shalt  }
0x6e: {  	_ =	shalt  }
0x6f: {  	_ =	shalt  }
0x70: {  	_ =	shalt  }
0x71: {  	_ =	shalt  }
0x72: {  	_ =	shalt  }
0x73: {  	_ =	shalt  }
0x74: {  	_ =	shalt  }
0x75: {  	_ =	shalt  }
0x76: {  	_ =	shalt  }
0x77: {  	_ =	shalt  }
0x78: {  	_ =	shalt  }
0x79: {  	_ =	shalt  }
0x7a: {  	_ =	shalt  }
0x7b: {  	_ =	shalt  }
0x7c: {  	_ =	shalt  }
0x7d: {  	_ =	shalt  }
0x7e: {  	_ =	shalt  }
0x7f: {  	_ =	shalt  }
0x80: {  	_ =	shalt  }
0x81: {  	_ =	shalt  }
0x82: {  	_ =	shalt  }
0x83: {  	_ =	shalt  }
0x84: {  	_ =	shalt  }
0x85: {  	_ =	shalt  }
0x86: {  	_ =	shalt  }
0x87: {  	_ =	shalt  }
.Lfunc_end0:
.L_simem_size_0:
called_computation.1_lowered:
.L_overlay_start_0:
0x88: {  	s2 =	sld [smem:$0x3FD9]  }
0x89: {  	s3 =	sld [smem:$0x3FFE];
	_ =	sdelay $0x1  }
0x8a: {  	s1 =	srdreg.scid  }
0x8b: {  	s0 =	sand.u32 $0x1, s1  }
0x8c: {  	s17 =	sshll.u32 s0, $0xA;
	s2 =	sadd.s32 s3, s2  }
0x8d: {  	s2 =	sadd.s32 s2, s17  }
0x8e: {  	[smem:$0x3FC2] =	sst s2  }
0x8f: {  	_ = 	snop  }
0x90: {  	s2 =	sld [smem:$0x3FD0];
	(tm) =	ssettm $0x1  }
0x91: {  	s18 =	sld [smem:$0x3FFB];
	_ =	sdelay $0x3  }
0x92: {  	_ =	strace s18  }
0x93: {  	s3 =	sld [smem:$0x3FFC];
	_ =	sdelay $0x3  }
0x94: {  	_ =	strace s3  }
0x95: {  	s3 =	sld [smem:$0x3FFD];
	_ =	sdelay $0x3  }
0x96: {  	_ =	strace s3  }
0x97: {  	_ =	strace $0x8FFFFFFF  }
0x98: {  	s19 =	sld [smem:$0x3FDB];
	_ =	sdelay $0x1  }
0x99: {  	s4 =	simm.s32 $_scs_section_size  }
0x9a: {  	s5 =	simm.s32 $_size__tile_overlayer_lowered;
	s6 =	simm.s32 $_tile_overlayer_lowered  }
0x9b: {  	s22 =	simm.s32 $0x1BFF;
	s21 =	sshll.u32 s6, $0x1;
	s3 =	sadd.s32 s4, s19  }
0x9c: {  	s7 =	simm.s32 $0x0;
	s20 =	sshll.u32 s5, $0x1;
	s5 =	sadd.s32 s21, s3  }
0x9d: {  	[timem:s7], [sflag:s22] =	dma.local [hbm:s5], s20  }
0x9e: {  	_ =	swait.ge [sflag:s22], s20  }
0x9f: {  	s4 =	ssub.s32 $0x0, s20;
	[sflag:s22] =	ssyncset.done $0x0  }
0xa0: {  	[sflag:s22] =	ssyncadd.s32 s4;
	_ =	sdelay $0x1  }
0xa1: {  	s23 =	simm.s32 $0x1B8B  }
0xa2: {  	_ =	swait.ge [sflag:s23], $0x1  }
0xa3: {  	[sflag:s23] =	ssyncset.done $0x0  }
0xa4: {  	s25 =	simm.s32 $0x1B8E;
	s24 =	sld [smem:$0x3FFE];
	[sflag:s23] =	ssyncadd.s32 $0xFFFFFFFF  }
0xa5: {  	s26 =	simm.s32 $execute0_lowered;
	[smem:$0x3FD2] =	sst s25  }
0xa6: {  	s5 =	sshll.u32 s26, $0x1;
	_ =	strace $0x80000049;
	[dreg:$0x1] =	wrdreg $0xFFFFFFFF  }
0xa7: {  	s28 =	simm.s32 $_size_execute0_lowered;
	s3 =	sadd.s32 s3, s5;
	[dreg:$0x0] =	wrdreg $0x0  }
0xa8: {  	s5 =	sshll.u32 s28, $0x1;
	[dreg:$0x2] =	wrdreg s3  }
0xa9: {  	[dreg:$0x3] =	wrdreg s5  }
0xaa: {  	[dreg:$0x4] =	wrdreg $0xC0  }
0xab: {  	_ =	task [dreg:s7], $0x5FFFF  }
0xac: {  	[dreg:$0x1] =	wrdreg $0xFFFFFFFF  }
0xad: {  	[dreg:$0x0] =	wrdreg $0x60  }
0xae: {  	[dreg:$0x2] =	wrdreg s24  }
0xaf: {  	[dreg:$0x3] =	wrdreg s2  }
0xb0: {  	[dreg:$0x4] =	wrdreg $0x6E400  }
0xb1: {  	[dreg:$0x5] =	wrdreg $0x9  }
0xb2: {  	_ =	task.clear_ibuf [dreg:s7], $0x6FFFF;
	_ =	strace $0x90000049  }
0xb3: {  	s29 =	simm.s32 $0x9;
	_ =	strace $0x8000004B  }
0xb4: {  	_ =	swait.ge [sflag:s29], $0x1  }
0xb5: {  	[sflag:s29] =	ssyncadd.s32 $0xFFFFFFFF  }
0xb6: {  	_ =	strace $0x9000004B  }
0xb7: {  	_ =	sfence  }
0xb8: {  	s30 =	sld [smem:$0x0];
	_ =	sdelay $0x2  }
0xb9: {  	s31 =	sshll.u32 s1, $0xD;
	s1 =	sshrl.u32 s1, $0x2  }
0xba: {  	s3 =	sand.u32 $0x4000, s31;
	s1 =	sadd.s32 s1, s30  }
0xbb: {  	s0 =	sor.u32 s3, s0;
	s1 =	sshll.u32 s1, $0x11  }
0xbc: {  	s0 =	sor.u32 s1, s0  }
0xbd: {  	s0 =	sadd.s32 $0x8F2B, s0  }
0xbe: {  	[sflag:s0] =	ssyncadd.remote.s32 $0x1  }
0xbf: {  	_ =	sfence.sel $0xFFFF  }
0xc0: {  	[dreg:$0x0] =	wrdreg $0xFFFFFFFF;
	(pc) =	sbr.abs _section_cstart, $3  }
0xc1: {  	[dreg:$0x1] =	wrdreg $0xFFFFFFFF  }
0xc2: {  	_ =	task.clear_ibuf [dreg:s7], $0x2FFFF;
	_ =	strace $0x9FFFFFFF  }
0xc3: {  	(tm) =	ssettm $0x7FFFFFFF  }
tec
execute0_lowered:
.L_overlay_start_1:
0x0: {  	(tag) =	ssettag $0x1  }
0x1: {  	s0 =	rddreg [dreg:$0x0]  }
0x2: {  	s2 =	rddreg [dreg:$0x2]  }
0x3: {  	s3 =	simm.s32 $0x0;
	s1 =	srdreg.scid;
	s9 =	stileid.u32  }
0x4: {  	s18 =	simm.s32 $0x3;
	s19 =	simm.s32 $0x620;
	s20 =	simm.s32 $0x310  }
0x5: {  	s21 =	simm.s32 $0xC40;
	s22 =	simm.s32 $0x930;
	s23 =	simm.s32 $0x3D40  }
0x6: {  	s24 =	simm.s32 $0x1;
	s28 =	simm.s32 $0x0;
	[smem:$0x7FF] =	sst s3  }
0x7: {  	s5 =	sadd.s32 $0x4F9800, s0;
	s6 =	sadd.s32 $0x52A600, s0;
	s1 =	sand.u32 $0x1, s1  }
0x8: {  	s4 =	sadd.s32 $0x34A00, s0;
	s15 =	sadd.s32 $0x800, s0;
	s11 =	smul.u32 $0x18700, s9  }
0x9: {  	s0 =	sadd.s32 $0x55B400, s0;
	s12 =	smul.u32 $0x18800, s9;
	s25 =	sshll.u32 s9, $0x6  }
0xa: {  	s31 =	smul.u32 $0x3100, s9;
	p1 =	seq.s32 s9, $0xF;
	_ =	strace $0x8000004A  }
0xb: {  	s7 =	ssub.s32 $0x2, s1;
	s14 =	smul.u32 $0x186A00, s1;
	p0 =	seq.s32 s1, $0x1  }
0xc: {  	s8 =	sshrl.u32 s7, $0x1;
	s26 =	sshrl.u32 s12, $0x3;
	s16 =	sor.u32 $0x310, s12  }
0xd: {  	s17 =	sadd.s32 s31, s15;
	s13 =	ssub.s32 s7, s8;
	s7 =	sadd.s32 s11, s2  }
0xe: {  	s8 =	sor.u32 $0x1C03, s25;
	s10 =	sadd.s32 s4, s26;
	s29 =	sadd.s32 s11, s14  }
0xf: {  	s30 =	sshrl.u32 s14, $0x3;
	s16 =	sshrl.u32 s16, $0x3;
	[dreg:$0x4] =	wrdreg s10  }
.Ltmp0:
0x10: {  	s10 =	sadd.s32 s15, s26;
	s1 =	sshrl.u32 s29, $0x3;
	(pc) =	sbr.rel .LBB2_1-.Ltmp0, $4  }
0x11: {  	s13 =	smax.u32 s13, $0x1;
	s14 =	sadd.s32 s4, s16;
	s15 =	sadd.s32 s15, s16  }
0x12: {  	s16 =	sadd.s32 $0xC4, s17;
	s11 =	sadd.s32 s0, s1;
	s0 =	sadd.s32 s0, s30  }
0x13: {  	s1 =	sadd.s32 s31, s4;
	s12 =	sadd.s32 $0x2DD20, s0;
	s0 =	sadd.s32 $0x16E900, s2  }
0x14: {  	s26 =	simm.s32 $0x2;
	s17 =	sadd.s32 $0xC4, s1;
	s25 =	sshrl.u32 @p1 s0, $0x3  }
.LBB2_7:
0x15: {  	[spmem:s2] =	stream.indirect.scatter.add.f32 @!p2 [tilespmem:s1], [sflag:$0x2], $0x10, s4, s0, $0xb8;
	[tilespmem:$0x1F540] =	vst v63  }
0x16: {  	_ =	swait.ge [sflag:s24], $0x3100  }
0x17: {  	[sflag:s24] =	ssyncset.done $0x0  }
0x18: {  	[sflag:s24] =	ssyncadd.s32 $0xFFFFCF00  }
0x19: {  	_ =	swait.ge [sflag:s26], $0x3100  }
0x1a: {  	[sflag:s26] =	ssyncset.done $0x0  }
0x1b: {  	[sflag:s26] =	ssyncadd.s32 $0xFFFFCF00  }
0x1c: {  	[spmem:s2] =	stream.indirect.scatter.add.f32 [tilespmem:s23], [sflag:$0x2], $0x10, s22, s20, $0xb8;
	[tilespmem:$0x1F540] =	vst v63  }
.LBB2_8:
0x1d: {  	_ =	swait.ge [sflag:s26], $0x3100  }
0x1e: {  	[sflag:s26] =	ssyncset.done $0x0  }
0x1f: {  	[sflag:s26] =	ssyncadd.s32 $0xFFFFCF00  }
0x20: {  	s0 =	simm.s32 @p1 $0x3;
	[bflag:$0x0] =	sbarrier.arrive $0xFFFF  }
0x21: {  	[hbm:s12], [sflag:s8] =	dma.local @p1 [spmem:s25], $0x3020  }
0x22: {  	_ =	swait.ge @p1 [sflag:s0], $0x3020  }
0x23: {  	s28 =	sadd.s32 $0x1, s28;
	[sflag:s0] =	ssyncset.done @p1 $0x0  }
0x24: {  	p2 =	sne.s32 s28, s13;
	[sflag:s0] =	ssyncadd.s32 @p1 $0xFFFFCFE0;
	s0 =	sshrl.u32 @!p1 s7, $0x3  }
0x25: {  	[hbm:s11], [sflag:s8] =	dma.local @!p1 [spmem:s0], $0x30E0  }
.Ltmp1:
0x26: {  	_ = 	snop;
	(pc) =	sbr.rel @!p2 .LBB2_9-.Ltmp1, $4  }
0x27: {  	s0 =	simm.s32 @!p1 $0x3  }
0x28: {  	_ =	swait.ge @!p1 [sflag:s0], $0x30E0  }
0x29: {  	[sflag:s0] =	ssyncset.done @!p1 $0x0  }
0x2a: {  	[sflag:s0] =	ssyncadd.s32 @!p1 $0xFFFFCF20  }
.LBB2_1:
0x2b: {  	s0 =	sshrl.u32 s7, $0x3;
	s1 =	rddreg [dreg:$0x1]  }
0x2c: {  	[spmem:s0], [sflag:s8] =	dma.local [hbm:s1], $0x30E0  }
0x2d: {  	_ =	swait.ge [sflag:s18], $0x30E0  }
0x2e: {  	[sflag:s18] =	ssyncset.done $0x0  }
0x2f: {  	[sflag:s18] =	ssyncadd.s32 $0xFFFFCF20  }
0x30: {  	[bflag:$0x0] =	sbarrier.arrive $0xFFFF  }
0x31: {  	s31 =	rddreg [dreg:$0x4]  }
0x32: {  	[tilespmem:s3], [sflag:$0x3] =	stream.linear.gather [hbm4b:s31+s3], $0x310, $0x38;
	[tilespmem:$0x1F540] =	vst v63  }
0x33: {  	_ =	swait.ge [sflag:s18], $0x310  }
0x34: {  	[sflag:s18] =	ssyncset.done $0x0  }
.Ltmp2:
0x35: {  	[sflag:s18] =	ssyncadd.s32 $0xFFFFFCF0;
	(pc) =	sbr.rel @!p0 .LBB2_2-.Ltmp2, $4  }
0x36: {  	[tilespmem:s19], [sflag:$0x3] =	stream.linear.gather [hbm4b:s10+s3], $0x310, $0x38;
	[tilespmem:$0x1F540] =	vst v63  }
0x37: {  	_ =	swait.ge [sflag:s18], $0x310  }
0x38: {  	[sflag:s18] =	ssyncset.done $0x0  }
0x39: {  	[sflag:s18] =	ssyncadd.s32 $0xFFFFFCF0  }
0x3a: {  	[tilespmem:s21], [sflag:$0x1] =	stream.indirect.gather [hbm4b:s6+s20], $0x10, s3, s20, $0xb8;
	[tilespmem:$0x1F540] =	vst v63  }
0x3b: {  	s0 =	simm.s32 $0x1  }
0x3c: {  	_ =	swait.ge [sflag:s0], $0x3100  }
0x3d: {  	[sflag:s0] =	ssyncset.done $0x0  }
0x3e: {  	[sflag:s0] =	ssyncadd.s32 $0xFFFFCF00  }
0x3f: {  	[tilespmem:s20], [sflag:$0x3] =	stream.linear.gather [hbm4b:s14+s3], $0x310, $0x38;
	[tilespmem:$0x1F540] =	vst v63  }
0x40: {  	_ =	swait.ge [sflag:s18], $0x310  }
0x41: {  	[sflag:s18] =	ssyncset.done $0x0  }
0x42: {  	[sflag:s18] =	ssyncadd.s32 $0xFFFFFCF0  }
0x43: {  	[tilespmem:s22], [sflag:$0x3] =	stream.linear.gather [hbm4b:s15+s3], $0x310, $0x38;
	[tilespmem:$0x1F540] =	vst v63  }
0x44: {  	_ =	swait.ge [sflag:s18], $0x310  }
0x45: {  	[sflag:s18] =	ssyncset.done $0x0  }
0x46: {  	[sflag:s18] =	ssyncadd.s32 $0xFFFFFCF0  }
0x47: {  	[tilespmem:s23], [sflag:$0x1] =	stream.indirect.gather [hbm4b:s6+s20], $0x10, s20, s20, $0xb8;
	[tilespmem:$0x1F540] =	vst v63  }
0x48: {  	_ = 	snop  }
0x49: {  	[spmem:s2] =	stream.indirect.scatter.add.f32 [tilespmem:s21], [sflag:$0x2], $0x10, s19, s20, $0xb8;
	[tilespmem:$0x1F540] =	vst v63  }
0x4a: {  	_ =	swait.ge [sflag:s24], $0x3100  }
0x4b: {  	[sflag:s24] =	ssyncset.done $0x0  }
0x4c: {  	[sflag:s24] =	ssyncadd.s32 $0xFFFFCF00  }
0x4d: {  	s0 =	sand.u32 $0x1, s0;
	_ =	swait.ge [sflag:s26], $0x3100  }
0x4e: {  	p2 =	seq.s32 s0, $0x1;
	[sflag:s26] =	ssyncset.done $0x0  }
0x4f: {  	s0 =	simm.s32 @p2 $0x0;
	s1 =	simm.s32 @p2 $0x3;
	[sflag:s26] =	ssyncadd.s32 $0xFFFFCF00  }
0x50: {  	[tilespmem:s0], [sflag:$0x3] =	stream.linear.gather @p2 [hbm4b:s17+s0], $0x310, $0x38;
	[tilespmem:$0x1F540] =	vst v63  }
0x51: {  	_ =	swait.ge @p2 [sflag:s1], $0x310  }
0x52: {  	[sflag:s1] =	ssyncset.done @p2 $0x0  }
0x53: {  	s4 =	simm.s32 @p2 $0x620;
	[sflag:s1] =	ssyncadd.s32 @p2 $0xFFFFFCF0  }
0x54: {  	[tilespmem:s4], [sflag:$0x3] =	stream.linear.gather @p2 [hbm4b:s16+s0], $0x310, $0x38;
	[tilespmem:$0x1F540] =	vst v63  }
0x55: {  	_ =	swait.ge @p2 [sflag:s1], $0x310  }
0x56: {  	[sflag:s1] =	ssyncset.done @p2 $0x0  }
0x57: {  	s4 =	simm.s32 @p2 $0xC40;
	[sflag:s1] =	ssyncadd.s32 @p2 $0xFFFFFCF0;
	s1 =	simm.s32 @p2 $0x310  }
0x58: {  	[tilespmem:s4], [sflag:$0x1] =	stream.indirect.gather @p2 [hbm4b:s6+s1], $0x10, s0, s1, $0xb8;
	[tilespmem:$0x1F540] =	vst v63  }
0x59: {  	s0 =	simm.s32 @p2 $0x930;
	s4 =	simm.s32 @p2 $0x3D40  }
0x5a: {  	[spmem:s2] =	stream.indirect.scatter.add.f32 @p2 [tilespmem:s4], [sflag:$0x2], $0x10, s0, s1, $0xb8;
	[tilespmem:$0x1F540] =	vst v63  }
0x5b: {  	s1 =	simm.s32 @!p2 $0x0;
	s0 =	simm.s32 @!p2 $0x310;
	s4 =	simm.s32 @!p2 $0x3  }
0x5c: {  	[tilespmem:s0], [sflag:$0x3] =	stream.linear.gather @!p2 [hbm4b:s17+s1], $0x310, $0x38;
	[tilespmem:$0x1F540] =	vst v63  }
0x5d: {  	_ =	swait.ge @!p2 [sflag:s4], $0x310  }
0x5e: {  	[sflag:s4] =	ssyncset.done @!p2 $0x0  }
0x5f: {  	s9 =	simm.s32 @!p2 $0x930;
	[sflag:s4] =	ssyncadd.s32 @!p2 $0xFFFFFCF0  }
0x60: {  	[tilespmem:s9], [sflag:$0x3] =	stream.linear.gather @!p2 [hbm4b:s16+s1], $0x310, $0x38;
	[tilespmem:$0x1F540] =	vst v63  }
0x61: {  	_ =	swait.ge @!p2 [sflag:s4], $0x310  }
0x62: {  	s29 =	simm.s32 $0x2;
	[sflag:s4] =	ssyncset.done @!p2 $0x0  }
0x63: {  	s30 =	sadd.s32 $0x62, s17;
	s1 =	simm.s32 @!p2 $0x3D40;
	[sflag:s4] =	ssyncadd.s32 @!p2 $0xFFFFFCF0  }
0x64: {  	[tilespmem:s1], [sflag:$0x1] =	stream.indirect.gather @!p2 [hbm4b:s6+s0], $0x10, s0, s0, $0xb8;
	[tilespmem:$0x1F540] =	vst v63  }
0x65: {  	s31 =	sadd.s32 $0x62, s16;
	s4 =	simm.s32 @!p2 $0x620;
	s1 =	simm.s32 @!p2 $0xC40  }
.LBB2_6:
0x66: {  	[spmem:s2] =	stream.indirect.scatter.add.f32 @!p2 [tilespmem:s1], [sflag:$0x2], $0x10, s4, s0, $0xb8;
	[tilespmem:$0x1F540] =	vst v63  }
0x67: {  	s0 =	smov.u32 s29;
	s29 =	sadd.s32 $0x1, s29;
	_ =	swait.ge [sflag:s24], $0x3100  }
0x68: {  	p3 =	sne.s32 s29, $0x7F;
	[sflag:s24] =	ssyncset.done $0x0  }
0x69: {  	[sflag:s24] =	ssyncadd.s32 $0xFFFFCF00  }
0x6a: {  	s0 =	sand.u32 $0x1, s0;
	_ =	swait.ge [sflag:s26], $0x3100  }
0x6b: {  	p2 =	seq.s32 s0, $0x1;
	[sflag:s26] =	ssyncset.done $0x0  }
0x6c: {  	s0 =	simm.s32 @p2 $0x0;
	s1 =	simm.s32 @p2 $0x3;
	[sflag:s26] =	ssyncadd.s32 $0xFFFFCF00  }
0x6d: {  	[tilespmem:s0], [sflag:$0x3] =	stream.linear.gather @p2 [hbm4b:s30+s0], $0x310, $0x38;
	[tilespmem:$0x1F540] =	vst v63  }
0x6e: {  	_ =	swait.ge @p2 [sflag:s1], $0x310  }
0x6f: {  	[sflag:s1] =	ssyncset.done @p2 $0x0  }
0x70: {  	s4 =	simm.s32 @p2 $0x620;
	[sflag:s1] =	ssyncadd.s32 @p2 $0xFFFFFCF0  }
0x71: {  	[tilespmem:s4], [sflag:$0x3] =	stream.linear.gather @p2 [hbm4b:s31+s0], $0x310, $0x38;
	[tilespmem:$0x1F540] =	vst v63  }
0x72: {  	_ =	swait.ge @p2 [sflag:s1], $0x310  }
0x73: {  	[sflag:s1] =	ssyncset.done @p2 $0x0  }
0x74: {  	s4 =	simm.s32 @p2 $0xC40;
	[sflag:s1] =	ssyncadd.s32 @p2 $0xFFFFFCF0;
	s1 =	simm.s32 @p2 $0x310  }
0x75: {  	[tilespmem:s4], [sflag:$0x1] =	stream.indirect.gather @p2 [hbm4b:s6+s1], $0x10, s0, s1, $0xb8;
	[tilespmem:$0x1F540] =	vst v63  }
0x76: {  	s0 =	simm.s32 @p2 $0x930;
	s4 =	simm.s32 @p2 $0x3D40  }
0x77: {  	[spmem:s2] =	stream.indirect.scatter.add.f32 @p2 [tilespmem:s4], [sflag:$0x2], $0x10, s0, s1, $0xb8;
	[tilespmem:$0x1F540] =	vst v63  }
0x78: {  	s1 =	simm.s32 @!p2 $0x0;
	s0 =	simm.s32 @!p2 $0x310;
	s4 =	simm.s32 @!p2 $0x3  }
0x79: {  	[tilespmem:s0], [sflag:$0x3] =	stream.linear.gather @!p2 [hbm4b:s30+s1], $0x310, $0x38;
	[tilespmem:$0x1F540] =	vst v63  }
0x7a: {  	_ =	swait.ge @!p2 [sflag:s4], $0x310  }
0x7b: {  	[sflag:s4] =	ssyncset.done @!p2 $0x0  }
0x7c: {  	s9 =	simm.s32 @!p2 $0x930;
	[sflag:s4] =	ssyncadd.s32 @!p2 $0xFFFFFCF0  }
0x7d: {  	[tilespmem:s9], [sflag:$0x3] =	stream.linear.gather @!p2 [hbm4b:s31+s1], $0x310, $0x38;
	[tilespmem:$0x1F540] =	vst v63  }
.Ltmp3:
0x7e: {  	_ =	swait.ge @!p2 [sflag:s4], $0x310;
	(pc) =	sbr.rel @p3 .LBB2_6-.Ltmp3, $4  }
0x7f: {  	[sflag:s4] =	ssyncset.done @!p2 $0x0  }
0x80: {  	s30 =	sadd.s32 $0x62, s30;
	s1 =	simm.s32 @!p2 $0x3D40;
	[sflag:s4] =	ssyncadd.s32 @!p2 $0xFFFFFCF0  }
0x81: {  	[tilespmem:s1], [sflag:$0x1] =	stream.indirect.gather @!p2 [hbm4b:s6+s0], $0x10, s0, s0, $0xb8;
	[tilespmem:$0x1F540] =	vst v63  }
0x82: {  	s31 =	sadd.s32 $0x62, s31;
	s4 =	simm.s32 @!p2 $0x620;
	s1 =	simm.s32 @!p2 $0xC40  }
.Ltmp4:
0x83: {  	_ = 	snop;
	(pc) =	sbr.rel .LBB2_7-.Ltmp4, $1  }
0x84: {  	_ =	sdelay $0x3  }
.LBB2_2:
0x85: {  	[tilespmem:s21], [sflag:$0x1] =	stream.indirect.gather [hbm4b:s5+s20], $0x10, s3, s20, $0xb8;
	[tilespmem:$0x1F540] =	vst v63  }
0x86: {  	s0 =	simm.s32 $0x1  }
0x87: {  	_ =	swait.ge [sflag:s0], $0x3100  }
0x88: {  	[sflag:s0] =	ssyncset.done $0x0  }
0x89: {  	[sflag:s0] =	ssyncadd.s32 $0xFFFFCF00  }
0x8a: {  	[tilespmem:s20], [sflag:$0x3] =	stream.linear.gather [hbm4b:s14+s3], $0x310, $0x38;
	[tilespmem:$0x1F540] =	vst v63  }
0x8b: {  	_ =	swait.ge [sflag:s18], $0x310  }
0x8c: {  	[sflag:s18] =	ssyncset.done $0x0  }
0x8d: {  	[sflag:s18] =	ssyncadd.s32 $0xFFFFFCF0  }
0x8e: {  	[tilespmem:s22], [sflag:$0x3] =	stream.linear.gather [hbm4b:s15+s3], $0x310, $0x38;
	[tilespmem:$0x1F540] =	vst v63  }
0x8f: {  	_ =	swait.ge [sflag:s18], $0x310  }
0x90: {  	[sflag:s18] =	ssyncset.done $0x0  }
0x91: {  	[sflag:s18] =	ssyncadd.s32 $0xFFFFFCF0  }
0x92: {  	[tilespmem:s23], [sflag:$0x1] =	stream.indirect.gather [hbm4b:s5+s20], $0x10, s20, s20, $0xb8;
	[tilespmem:$0x1F540] =	vst v63  }
0x93: {  	_ = 	snop  }
0x94: {  	[spmem:s2] =	stream.indirect.scatter.add.f32 [tilespmem:s21], [sflag:$0x2], $0x10, s19, s20, $0xb8;
	[tilespmem:$0x1F540] =	vst v63  }
0x95: {  	_ =	swait.ge [sflag:s24], $0x3100  }
0x96: {  	[sflag:s24] =	ssyncset.done $0x0  }
0x97: {  	[sflag:s24] =	ssyncadd.s32 $0xFFFFCF00  }
0x98: {  	s0 =	sand.u32 $0x1, s0;
	_ =	swait.ge [sflag:s26], $0x3100  }
0x99: {  	p2 =	seq.s32 s0, $0x1;
	[sflag:s26] =	ssyncset.done $0x0  }
0x9a: {  	s0 =	simm.s32 @p2 $0x0;
	s1 =	simm.s32 @p2 $0x3;
	[sflag:s26] =	ssyncadd.s32 $0xFFFFCF00  }
0x9b: {  	[tilespmem:s0], [sflag:$0x3] =	stream.linear.gather @p2 [hbm4b:s17+s0], $0x310, $0x38;
	[tilespmem:$0x1F540] =	vst v63  }
0x9c: {  	_ =	swait.ge @p2 [sflag:s1], $0x310  }
0x9d: {  	[sflag:s1] =	ssyncset.done @p2 $0x0  }
0x9e: {  	s4 =	simm.s32 @p2 $0x620;
	[sflag:s1] =	ssyncadd.s32 @p2 $0xFFFFFCF0  }
0x9f: {  	[tilespmem:s4], [sflag:$0x3] =	stream.linear.gather @p2 [hbm4b:s16+s0], $0x310, $0x38;
	[tilespmem:$0x1F540] =	vst v63  }
0xa0: {  	_ =	swait.ge @p2 [sflag:s1], $0x310  }
0xa1: {  	[sflag:s1] =	ssyncset.done @p2 $0x0  }
0xa2: {  	s4 =	simm.s32 @p2 $0xC40;
	[sflag:s1] =	ssyncadd.s32 @p2 $0xFFFFFCF0;
	s1 =	simm.s32 @p2 $0x310  }
0xa3: {  	[tilespmem:s4], [sflag:$0x1] =	stream.indirect.gather @p2 [hbm4b:s5+s1], $0x10, s0, s1, $0xb8;
	[tilespmem:$0x1F540] =	vst v63  }
0xa4: {  	s0 =	simm.s32 @p2 $0x930;
	s4 =	simm.s32 @p2 $0x3D40  }
0xa5: {  	[spmem:s2] =	stream.indirect.scatter.add.f32 @p2 [tilespmem:s4], [sflag:$0x2], $0x10, s0, s1, $0xb8;
	[tilespmem:$0x1F540] =	vst v63  }
0xa6: {  	s1 =	simm.s32 @!p2 $0x0;
	s0 =	simm.s32 @!p2 $0x310;
	s4 =	simm.s32 @!p2 $0x3  }
0xa7: {  	[tilespmem:s0], [sflag:$0x3] =	stream.linear.gather @!p2 [hbm4b:s17+s1], $0x310, $0x38;
	[tilespmem:$0x1F540] =	vst v63  }
0xa8: {  	_ =	swait.ge @!p2 [sflag:s4], $0x310  }
0xa9: {  	[sflag:s4] =	ssyncset.done @!p2 $0x0  }
0xaa: {  	s29 =	simm.s32 @!p2 $0x930;
	[sflag:s4] =	ssyncadd.s32 @!p2 $0xFFFFFCF0  }
0xab: {  	[tilespmem:s29], [sflag:$0x3] =	stream.linear.gather @!p2 [hbm4b:s16+s1], $0x310, $0x38;
	[tilespmem:$0x1F540] =	vst v63  }
0xac: {  	_ =	swait.ge @!p2 [sflag:s4], $0x310  }
0xad: {  	s30 =	sadd.s32 $0x62, s17;
	[sflag:s4] =	ssyncset.done @!p2 $0x0  }
0xae: {  	s31 =	sadd.s32 $0x62, s16;
	s1 =	simm.s32 @!p2 $0x3D40;
	[sflag:s4] =	ssyncadd.s32 @!p2 $0xFFFFFCF0  }
0xaf: {  	[tilespmem:s1], [sflag:$0x1] =	stream.indirect.gather @!p2 [hbm4b:s5+s0], $0x10, s0, s0, $0xb8;
	[tilespmem:$0x1F540] =	vst v63  }
0xb0: {  	s29 =	simm.s32 $0x2;
	s4 =	simm.s32 @!p2 $0x620;
	s1 =	simm.s32 @!p2 $0xC40  }
.LBB2_3:
0xb1: {  	[spmem:s2] =	stream.indirect.scatter.add.f32 @!p2 [tilespmem:s1], [sflag:$0x2], $0x10, s4, s0, $0xb8;
	[tilespmem:$0x1F540] =	vst v63  }
0xb2: {  	s0 =	smov.u32 s29;
	s29 =	sadd.s32 $0x1, s29;
	_ =	swait.ge [sflag:s24], $0x3100  }
0xb3: {  	p3 =	seq.s32 s29, $0x7F;
	[sflag:s24] =	ssyncset.done $0x0  }
0xb4: {  	[sflag:s24] =	ssyncadd.s32 $0xFFFFCF00  }
0xb5: {  	s0 =	sand.u32 $0x1, s0;
	_ =	swait.ge [sflag:s26], $0x3100  }
0xb6: {  	p2 =	seq.s32 s0, $0x1;
	[sflag:s26] =	ssyncset.done $0x0  }
0xb7: {  	s0 =	simm.s32 @p2 $0x0;
	s1 =	simm.s32 @p2 $0x3;
	[sflag:s26] =	ssyncadd.s32 $0xFFFFCF00  }
0xb8: {  	[tilespmem:s0], [sflag:$0x3] =	stream.linear.gather @p2 [hbm4b:s30+s0], $0x310, $0x38;
	[tilespmem:$0x1F540] =	vst v63  }
0xb9: {  	_ =	swait.ge @p2 [sflag:s1], $0x310  }
0xba: {  	[sflag:s1] =	ssyncset.done @p2 $0x0  }
0xbb: {  	s4 =	simm.s32 @p2 $0x620;
	[sflag:s1] =	ssyncadd.s32 @p2 $0xFFFFFCF0  }
0xbc: {  	[tilespmem:s4], [sflag:$0x3] =	stream.linear.gather @p2 [hbm4b:s31+s0], $0x310, $0x38;
	[tilespmem:$0x1F540] =	vst v63  }
0xbd: {  	_ =	swait.ge @p2 [sflag:s1], $0x310  }
0xbe: {  	[sflag:s1] =	ssyncset.done @p2 $0x0  }
0xbf: {  	s4 =	simm.s32 @p2 $0xC40;
	[sflag:s1] =	ssyncadd.s32 @p2 $0xFFFFFCF0;
	s1 =	simm.s32 @p2 $0x310  }
0xc0: {  	[tilespmem:s4], [sflag:$0x1] =	stream.indirect.gather @p2 [hbm4b:s5+s1], $0x10, s0, s1, $0xb8;
	[tilespmem:$0x1F540] =	vst v63  }
0xc1: {  	s0 =	simm.s32 @p2 $0x930;
	s4 =	simm.s32 @p2 $0x3D40  }
0xc2: {  	[spmem:s2] =	stream.indirect.scatter.add.f32 @p2 [tilespmem:s4], [sflag:$0x2], $0x10, s0, s1, $0xb8;
	[tilespmem:$0x1F540] =	vst v63  }
0xc3: {  	s1 =	simm.s32 @!p2 $0x0;
	s0 =	simm.s32 @!p2 $0x310;
	s4 =	simm.s32 @!p2 $0x3  }
0xc4: {  	[tilespmem:s0], [sflag:$0x3] =	stream.linear.gather @!p2 [hbm4b:s30+s1], $0x310, $0x38;
	[tilespmem:$0x1F540] =	vst v63  }
0xc5: {  	_ =	swait.ge @!p2 [sflag:s4], $0x310  }
0xc6: {  	[sflag:s4] =	ssyncset.done @!p2 $0x0  }
0xc7: {  	s9 =	simm.s32 @!p2 $0x930;
	[sflag:s4] =	ssyncadd.s32 @!p2 $0xFFFFFCF0  }
0xc8: {  	[tilespmem:s9], [sflag:$0x3] =	stream.linear.gather @!p2 [hbm4b:s31+s1], $0x310, $0x38;
	[tilespmem:$0x1F540] =	vst v63  }
.Ltmp5:
0xc9: {  	_ =	swait.ge @!p2 [sflag:s4], $0x310;
	(pc) =	sbr.rel @!p3 .LBB2_3-.Ltmp5, $4  }
0xca: {  	[sflag:s4] =	ssyncset.done @!p2 $0x0  }
0xcb: {  	s30 =	sadd.s32 $0x62, s30;
	s1 =	simm.s32 @!p2 $0x3D40;
	[sflag:s4] =	ssyncadd.s32 @!p2 $0xFFFFFCF0  }
0xcc: {  	[tilespmem:s1], [sflag:$0x1] =	stream.indirect.gather @!p2 [hbm4b:s5+s0], $0x10, s0, s0, $0xb8;
	[tilespmem:$0x1F540] =	vst v63  }
0xcd: {  	s31 =	sadd.s32 $0x62, s31;
	s4 =	simm.s32 @!p2 $0x620;
	s1 =	simm.s32 @!p2 $0xC40  }
0xce: {  	[spmem:s2] =	stream.indirect.scatter.add.f32 @!p2 [tilespmem:s1], [sflag:$0x2], $0x10, s4, s0, $0xb8;
	[tilespmem:$0x1F540] =	vst v63  }
0xcf: {  	_ =	swait.ge [sflag:s24], $0x3100  }
0xd0: {  	[sflag:s24] =	ssyncset.done $0x0  }
.Ltmp6:
0xd1: {  	[sflag:s24] =	ssyncadd.s32 $0xFFFFCF00;
	(pc) =	sbr.rel .LBB2_8-.Ltmp6, $4  }
0xd2: {  	_ =	swait.ge [sflag:s26], $0x3100  }
0xd3: {  	[sflag:s26] =	ssyncset.done $0x0  }
0xd4: {  	[sflag:s26] =	ssyncadd.s32 $0xFFFFCF00  }
0xd5: {  	[spmem:s2] =	stream.indirect.scatter.add.f32 [tilespmem:s23], [sflag:$0x2], $0x10, s22, s20, $0xb8;
	[tilespmem:$0x1F540] =	vst v63  }
.LBB2_9:
0xd6: {  	_ =	sfence.sel $0x180000  }
0xd7: {  	[bflag:$0x0] =	sbarrier.arrive $0xFFFF  }
0xd8: {  	_ =	strace $0x9000004A  }
0xd9: {  	s0 =	stileid.u32;
	[bflag:$0x2] =	sbarrier.arrive $0xFFFF  }
0xda: {  	p0 =	sne.s32 s0, $0x0;
	s0 =	rddreg [dreg:$0x3]  }
0xdb: {  	s0 =	sadd.s32 @!p0 $0x100000, s0  }
0xdc: {  	[sflag:s0] =	ssyncadd.tile.s32 @!p0 $0x1;
	_ =	shalt  }
.Lfunc_end2:
_tile_overlayer_lowered:
.L_overlay_start_2:
0xdd: {  	(tag) =	ssettag $0x2  }
0xde: {  	s0 =	rddreg [dreg:$0x0];
	s2 =	stileid.u32  }
0xdf: {  	s1 =	rddreg [dreg:$0x1];
	p0 =	sne.s32 s2, $0x0  }
0xe0: {  	s3 =	rddreg [dreg:$0x2];
	[bflag:$0x3] =	sbarrier.arrive $0xFFFF;
	s2 =	simm.s32 @!p0 $0x1C03  }
0xe1: {  	[timem:s3], [sflag:s2] =	dma.local @!p0 [hbm:s0], s1  }
0xe2: {  	s0 =	simm.s32 @!p0 $0x3  }
0xe3: {  	_ =	swait.ge @!p0 [sflag:s0], s1  }
0xe4: {  	s1 =	ssub.s32 @!p0 $0x0, s1;
	[sflag:s0] =	ssyncset.done @!p0 $0x0  }
0xe5: {  	[sflag:s0] =	ssyncadd.s32 @!p0 s1  }
0xe6: {  	[bflag:$0x3] =	sbarrier.arrive $0xFFFF  }
0xe7: {  	_ =	shalt  }

// kernel: kernel.15.cloned.1.call-start
scs
__scs_entry_jumppad:
0x0: {  	(pc) =	sbr.rel $0x88, $3  }
0x1: {  	(tag) =	ssettag $0x0;
	lr =	simm.s32 $0x1  }
0x2: {  	[smem:$0x3F9B] =	sst lr;
	_ =	strace $0xD0000000  }
0x3: {  	_ = 	snop  }
0x4: {  	_ = 	snop  }
0x5: {  	_ = 	snop  }
0x6: {  	_ = 	snop  }
0x7: {  	_ = 	snop  }
__scs_overlays_trampoline_lowered:
0x8: {  	[smem:$0x3FAA] =	sst s0  }
0x9: {  	[smem:$0x3FAB] =	sst s1  }
0xa: {  	[smem:$0x3FAC] =	sst s2  }
0xb: {  	[smem:$0x3FAD] =	sst s3  }
0xc: {  	[smem:$0x3FAE] =	sst s4  }
0xd: {  	[smem:$0x3FAF] =	sst s5  }
0xe: {  	[smem:$0x3FB0] =	sst s6  }
0xf: {  	[smem:$0x3FB1] =	sst s7  }
0x10: {  	[smem:$0x3FB2] =	sst s8  }
0x11: {  	[smem:$0x3FB3] =	sst s9;
	s0 =	simm.s32 @!p0 $0x0  }
0x12: {  	s1 =	sld [smem:$0x3F99];
	s0 =	simm.s32 @p0 $0x1  }
0x13: {  	[smem:$0x3FB4] =	sst s0;
	s0 =	simm.s32 @!p1 $0x0  }
0x14: {  	s2 =	sld [smem:$0x3F98];
	s0 =	simm.s32 @p1 $0x1  }
0x15: {  	[smem:$0x3FB5] =	sst s0;
	s0 =	simm.s32 @!p2 $0x0  }
0x16: {  	s3 =	sld [smem:$0x3FDB];
	s0 =	simm.s32 @p2 $0x1  }
0x17: {  	s4 =	simm.s32 $0x1BF5;
	[smem:$0x3FB7] =	sst s0  }
0x18: {  	s0 =	sld [smem:$0x3F9A];
	_ =	swait.ge [sflag:s4], $0x0  }
0x19: {  	s7 =	sld [smem:$0x3F9B]  }
0x1a: {  	s8 =	sadd.s32 $0xFFFFE003, lr  }
0x1b: {  	s9 =	sadd.s32 $0xFFFFFEF7, lr;
	s5 =	simm.s32 $0xFFFFFFFF;
	p2 =	slt.u32 s8, $0xFFFFF086  }
0x1c: {  	p1 =	slt.u32 s9, $0xF7A;
	s5 =	simm.s32 @!p2 $0x0  }
0x1d: {  	s5 =	simm.s32 @p1 $0x1;
	p0 =	seq.s32 s7, s2  }
0x1e: {  	s7 =	smul.u32 @!p0 $0xF7A, s2;
	p2 =	seq.s32 @!p0 s5, $0x0  }
0x1f: {  	s9 =	smul.u32 $0xF7A, s1;
	s8 =	simm.s32 @!p0 $0x1BF5;
	p2 =	por !p2, p0  }
0x20: {  	[sflag:s8] =	ssyncset.s32 @!p0 $0xFFFFF086;
	s6 =	sadd.s32 @!p0 s3, s7;
	s7 =	simm.s32 @!p0 $0x108  }
0x21: {  	s3 =	sadd.s32 s3, s9;
	s6 =	sadd.s32 @!p0 $0x88, s6;
	s7 =	simm.s32 @p2 $0x1082  }
0x22: {  	[simem:s7], [sflag:s8] =	dma.local @!p0 [hbm:s6], $0xF7A  }
0x23: {  	s9 =	sor.u32 $0xD0000000, s2;
	s6 =	simm.s32 $0x108;
	_ =	swait.ge @!p0 [sflag:s8], $0x0  }
0x24: {  	s3 =	sadd.s32 $0x88, s3;
	s6 =	simm.s32 @!p1 $0x1082;
	[sflag:s4] =	ssyncset.s32 $0xFFFFF086  }
0x25: {  	[simem:s6], [sflag:s4] =	dma.local [hbm:s3], $0xF7A  }
0x26: {  	[smem:$0x3F9B] =	sst s1;
	(tag) =	ssettag s2;
	_ =	strace s9  }
0x27: {  	s1 =	sld [smem:$0x3FAB]  }
0x28: {  	s2 =	sld [smem:$0x3FAC]  }
0x29: {  	s4 =	sld [smem:$0x3FAE]  }
0x2a: {  	p0 =	seq.s32 s5, $0x0;
	s5 =	sld [smem:$0x3FAF]  }
0x2b: {  	s6 =	sld [smem:$0x3FB0]  }
0x2c: {  	s7 =	sld [smem:$0x3FB1]  }
0x2d: {  	s3 =	simm.s32 $0x108;
	s8 =	sld [smem:$0x3FB2]  }
0x2e: {  	s3 =	simm.s32 @!p0 $0x1082;
	s9 =	sld [smem:$0x3FB3]  }
0x2f: {  	lr =	sadd.s32 s0, s3;
	s0 =	sld [smem:$0x3FAA]  }
0x30: {  	s3 =	sld [smem:$0x3FAD]  }
0x31: {  	[smem:$0x3FB6] =	sst s10  }
0x32: {  	s10 =	sld [smem:$0x3FB4];
	_ =	sdelay $0x3  }
0x33: {  	p0 =	seq.s32 s10, $0x1;
	s10 =	sld [smem:$0x3FB6];
	_ =	sdelay $0x3  }
0x34: {  	[smem:$0x3FB6] =	sst s10  }
0x35: {  	s10 =	sld [smem:$0x3FB5];
	_ =	sdelay $0x3  }
0x36: {  	p1 =	seq.s32 s10, $0x1;
	s10 =	sld [smem:$0x3FB6];
	_ =	sdelay $0x3  }
0x37: {  	[smem:$0x3FB6] =	sst s10  }
0x38: {  	s10 =	sld [smem:$0x3FB7]  }
0x39: {  	_ = 	snop;
	(pc) =	sbr.ind lr, $3  }
0x3a: {  	_ = 	snop  }
0x3b: {  	_ = 	snop  }
0x3c: {  	p2 =	seq.s32 s10, $0x1;
	s10 =	sld [smem:$0x3FB6]  }
0x3d: {  	_ =	shalt  }
0x3e: {  	_ =	shalt  }
0x3f: {  	_ =	shalt  }
0x40: {  	_ =	shalt  }
0x41: {  	_ =	shalt  }
0x42: {  	_ =	shalt  }
0x43: {  	_ =	shalt  }
0x44: {  	_ =	shalt  }
0x45: {  	_ =	shalt  }
0x46: {  	_ =	shalt  }
0x47: {  	_ =	shalt  }
0x48: {  	_ =	shalt  }
0x49: {  	_ =	shalt  }
0x4a: {  	_ =	shalt  }
0x4b: {  	_ =	shalt  }
0x4c: {  	_ =	shalt  }
0x4d: {  	_ =	shalt  }
0x4e: {  	_ =	shalt  }
0x4f: {  	_ =	shalt  }
0x50: {  	_ =	shalt  }
0x51: {  	_ =	shalt  }
0x52: {  	_ =	shalt  }
0x53: {  	_ =	shalt  }
0x54: {  	_ =	shalt  }
0x55: {  	_ =	shalt  }
0x56: {  	_ =	shalt  }
0x57: {  	_ =	shalt  }
0x58: {  	_ =	shalt  }
0x59: {  	_ =	shalt  }
0x5a: {  	_ =	shalt  }
0x5b: {  	_ =	shalt  }
0x5c: {  	_ =	shalt  }
0x5d: {  	_ =	shalt  }
0x5e: {  	_ =	shalt  }
0x5f: {  	_ =	shalt  }
0x60: {  	_ =	shalt  }
0x61: {  	_ =	shalt  }
0x62: {  	_ =	shalt  }
0x63: {  	_ =	shalt  }
0x64: {  	_ =	shalt  }
0x65: {  	_ =	shalt  }
0x66: {  	_ =	shalt  }
0x67: {  	_ =	shalt  }
0x68: {  	_ =	shalt  }
0x69: {  	_ =	shalt  }
0x6a: {  	_ =	shalt  }
0x6b: {  	_ =	shalt  }
0x6c: {  	_ =	shalt  }
0x6d: {  	_ =	shalt  }
0x6e: {  	_ =	shalt  }
0x6f: {  	_ =	shalt  }
0x70: {  	_ =	shalt  }
0x71: {  	_ =	shalt  }
0x72: {  	_ =	shalt  }
0x73: {  	_ =	shalt  }
0x74: {  	_ =	shalt  }
0x75: {  	_ =	shalt  }
0x76: {  	_ =	shalt  }
0x77: {  	_ =	shalt  }
0x78: {  	_ =	shalt  }
0x79: {  	_ =	shalt  }
0x7a: {  	_ =	shalt  }
0x7b: {  	_ =	shalt  }
0x7c: {  	_ =	shalt  }
0x7d: {  	_ =	shalt  }
0x7e: {  	_ =	shalt  }
0x7f: {  	_ =	shalt  }
0x80: {  	_ =	shalt  }
0x81: {  	_ =	shalt  }
0x82: {  	_ =	shalt  }
0x83: {  	_ =	shalt  }
0x84: {  	_ =	shalt  }
0x85: {  	_ =	shalt  }
0x86: {  	_ =	shalt  }
0x87: {  	_ =	shalt  }
.Lfunc_end0:
.L_simem_size_0:
called_computation.2_lowered:
.L_overlay_start_0:
0x88: {  	s2 =	sld [smem:$0x3FD9]  }
0x89: {  	s3 =	sld [smem:$0x3FFE];
	_ =	sdelay $0x1  }
0x8a: {  	s1 =	srdreg.scid  }
0x8b: {  	s0 =	sand.u32 $0x1, s1  }
0x8c: {  	s17 =	sshll.u32 s0, $0xA;
	s2 =	sadd.s32 s3, s2  }
0x8d: {  	s2 =	sadd.s32 s2, s17  }
0x8e: {  	[smem:$0x3FC2] =	sst s2  }
0x8f: {  	_ = 	snop  }
0x90: {  	s2 =	sld [smem:$0x3FD0];
	(tm) =	ssettm $0x1  }
0x91: {  	s18 =	sld [smem:$0x3FFB];
	_ =	sdelay $0x3  }
0x92: {  	_ =	strace s18  }
0x93: {  	s3 =	sld [smem:$0x3FFC];
	_ =	sdelay $0x3  }
0x94: {  	_ =	strace s3  }
0x95: {  	s3 =	sld [smem:$0x3FFD];
	_ =	sdelay $0x3  }
0x96: {  	_ =	strace s3  }
0x97: {  	_ =	strace $0x8FFFFFFF  }
0x98: {  	s19 =	sld [smem:$0x3FDB];
	_ =	sdelay $0x1  }
0x99: {  	s4 =	simm.s32 $_scs_section_size  }
0x9a: {  	s5 =	simm.s32 $_size__tile_overlayer_lowered;
	s6 =	simm.s32 $_tile_overlayer_lowered  }
0x9b: {  	s22 =	simm.s32 $0x1BFF;
	s21 =	sshll.u32 s6, $0x1;
	s3 =	sadd.s32 s4, s19  }
0x9c: {  	s7 =	simm.s32 $0x0;
	s20 =	sshll.u32 s5, $0x1;
	s5 =	sadd.s32 s21, s3  }
0x9d: {  	[timem:s7], [sflag:s22] =	dma.local [hbm:s5], s20  }
0x9e: {  	_ =	swait.ge [sflag:s22], s20  }
0x9f: {  	s4 =	ssub.s32 $0x0, s20;
	[sflag:s22] =	ssyncset.done $0x0  }
0xa0: {  	[sflag:s22] =	ssyncadd.s32 s4;
	_ =	sdelay $0x1  }
0xa1: {  	s23 =	simm.s32 $0x1B8B  }
0xa2: {  	_ =	swait.ge [sflag:s23], $0x1  }
0xa3: {  	[sflag:s23] =	ssyncset.done $0x0  }
0xa4: {  	s25 =	simm.s32 $0x1B8E;
	s24 =	sld [smem:$0x3FFE];
	[sflag:s23] =	ssyncadd.s32 $0xFFFFFFFF  }
0xa5: {  	s26 =	simm.s32 $execute0_lowered;
	[smem:$0x3FD2] =	sst s25  }
0xa6: {  	s5 =	sshll.u32 s26, $0x1;
	_ =	strace $0x8000004C;
	[dreg:$0x1] =	wrdreg $0xFFFFFFFF  }
0xa7: {  	s28 =	simm.s32 $_size_execute0_lowered;
	s3 =	sadd.s32 s3, s5;
	[dreg:$0x0] =	wrdreg $0x0  }
0xa8: {  	s5 =	sshll.u32 s28, $0x1;
	[dreg:$0x2] =	wrdreg s3  }
0xa9: {  	[dreg:$0x3] =	wrdreg s5  }
0xaa: {  	[dreg:$0x4] =	wrdreg $0xC0  }
0xab: {  	_ =	task [dreg:s7], $0x5FFFF  }
0xac: {  	[dreg:$0x1] =	wrdreg $0xFFFFFFFF  }
0xad: {  	[dreg:$0x0] =	wrdreg $0x60  }
0xae: {  	[dreg:$0x2] =	wrdreg s24  }
0xaf: {  	[dreg:$0x3] =	wrdreg s2  }
0xb0: {  	[dreg:$0x4] =	wrdreg $0x6E400  }
0xb1: {  	[dreg:$0x5] =	wrdreg $0x9  }
0xb2: {  	_ =	task.clear_ibuf [dreg:s7], $0x6FFFF;
	_ =	strace $0x9000004C  }
0xb3: {  	s29 =	simm.s32 $0x9;
	_ =	strace $0x8000004E  }
0xb4: {  	_ =	swait.ge [sflag:s29], $0x1  }
0xb5: {  	[sflag:s29] =	ssyncadd.s32 $0xFFFFFFFF  }
0xb6: {  	_ =	strace $0x9000004E  }
0xb7: {  	_ =	sfence  }
0xb8: {  	s30 =	sld [smem:$0x0];
	_ =	sdelay $0x2  }
0xb9: {  	s31 =	sshll.u32 s1, $0xD;
	s1 =	sshrl.u32 s1, $0x2  }
0xba: {  	s3 =	sand.u32 $0x4000, s31;
	s1 =	sadd.s32 s1, s30  }
0xbb: {  	s0 =	sor.u32 s3, s0;
	s1 =	sshll.u32 s1, $0x11  }
0xbc: {  	s0 =	sor.u32 s1, s0  }
0xbd: {  	s0 =	sadd.s32 $0x8F2B, s0  }
0xbe: {  	[sflag:s0] =	ssyncadd.remote.s32 $0x1  }
0xbf: {  	_ =	sfence.sel $0xFFFF  }
0xc0: {  	[dreg:$0x0] =	wrdreg $0xFFFFFFFF;
	(pc) =	sbr.abs _section_cstart, $3  }
0xc1: {  	[dreg:$0x1] =	wrdreg $0xFFFFFFFF  }
0xc2: {  	_ =	task.clear_ibuf [dreg:s7], $0x2FFFF;
	_ =	strace $0x9FFFFFFF  }
0xc3: {  	(tm) =	ssettm $0x7FFFFFFF  }
tec
execute0_lowered:
.L_overlay_start_1:
0x0: {  	(tag) =	ssettag $0x1  }
0x1: {  	s0 =	rddreg [dreg:$0x0]  }
0x2: {  	s2 =	rddreg [dreg:$0x2];
	s3 =	simm.s32 $0x0;
	s1 =	srdreg.scid  }
0x3: {  	s25 =	stileid.u32;
	s18 =	simm.s32 $0x3;
	s19 =	simm.s32 $0x620  }
0x4: {  	s20 =	simm.s32 $0x310;
	s21 =	simm.s32 $0xC40;
	s22 =	simm.s32 $0x930  }
0x5: {  	s23 =	simm.s32 $0x3D40;
	s28 =	simm.s32 $0x0;
	[smem:$0x7FF] =	sst s3  }
0x6: {  	s5 =	sadd.s32 $0x1EC400, s0;
	s4 =	sadd.s32 $0x34A00, s0;
	s1 =	sand.u32 $0x1, s1  }
0x7: {  	s15 =	sadd.s32 $0x800, s0;
	s10 =	smul.u32 $0x18700, s25;
	s0 =	sadd.s32 $0x21D200, s0  }
0x8: {  	s24 =	sshll.u32 s25, $0x6;
	s14 =	smul.u32 $0xC400, s25;
	p0 =	seq.s32 s25, $0xF  }
0x9: {  	s6 =	sshll.u32 s1, $0x4;
	s7 =	ssub.s32 $0x2, s1;
	s13 =	smul.u32 $0x186A00, s1  }
0xa: {  	s1 =	smul.u32 $0xC4000, s1;
	s6 =	sor.u32 s25, s6;
	s8 =	sshrl.u32 s7, $0x1  }
0xb: {  	_ =	strace $0x8000004D;
	s11 =	smul.u32 $0xC400, s6;
	s12 =	ssub.s32 s7, s8  }
0xc: {  	s6 =	sadd.s32 s10, s2;
	s7 =	sor.u32 $0x1C03, s24;
	s10 =	sadd.s32 s10, s13  }
0xd: {  	s13 =	sshrl.u32 s13, $0x3;
	s30 =	sadd.s32 s14, s1;
	s1 =	sadd.s32 $0x16E900, s2  }
0xe: {  	s24 =	simm.s32 $0x1;
	s10 =	sshrl.u32 s10, $0x3;
	s29 =	sadd.s32 s0, s13  }
0xf: {  	s12 =	smax.u32 s12, $0x1;
	s17 =	sshrl.u32 s6, $0x3;
	s25 =	sshrl.u32 @p0 s1, $0x3  }
0x10: {  	s9 =	sshrl.u32 s11, $0x3;
	s16 =	sor.u32 $0x310, s11;
	s10 =	sadd.s32 s0, s10  }
0x11: {  	s11 =	sadd.s32 $0x2DD20, s29;
	s0 =	sadd.s32 $0x620, s30;
	s26 =	sadd.s32 s4, s9  }
0x12: {  	s9 =	sadd.s32 s15, s9;
	s31 =	sshrl.u32 s16, $0x3;
	s0 =	sshrl.u32 s0, $0x3  }
0x13: {  	[dreg:$0x4] =	wrdreg s26;
	s13 =	sadd.s32 s4, s31;
	s14 =	sadd.s32 s15, s31  }
0x14: {  	s15 =	sadd.s32 s0, s15;
	s16 =	sadd.s32 s0, s4;
	s26 =	simm.s32 $0x2  }
.LBB2_1:
0x15: {  	s0 =	rddreg [dreg:$0x1]  }
0x16: {  	[spmem:s17], [sflag:s7] =	dma.local [hbm:s0], $0x30E0  }
0x17: {  	_ =	swait.ge [sflag:s18], $0x30E0  }
0x18: {  	[sflag:s18] =	ssyncset.done $0x0  }
0x19: {  	[sflag:s18] =	ssyncadd.s32 $0xFFFFCF20  }
0x1a: {  	[bflag:$0x0] =	sbarrier.arrive $0xFFFF  }
0x1b: {  	s4 =	rddreg [dreg:$0x4]  }
0x1c: {  	[tilespmem:s3], [sflag:$0x3] =	stream.linear.gather [hbm4b:s4+s3], $0x310, $0x38;
	[tilespmem:$0x1F540] =	vst v63  }
0x1d: {  	_ =	swait.ge [sflag:s18], $0x310  }
0x1e: {  	[sflag:s18] =	ssyncset.done $0x0  }
0x1f: {  	[sflag:s18] =	ssyncadd.s32 $0xFFFFFCF0  }
0x20: {  	[tilespmem:s19], [sflag:$0x3] =	stream.linear.gather [hbm4b:s9+s3], $0x310, $0x38;
	[tilespmem:$0x1F540] =	vst v63  }
0x21: {  	_ =	swait.ge [sflag:s18], $0x310  }
0x22: {  	[sflag:s18] =	ssyncset.done $0x0  }
0x23: {  	[sflag:s18] =	ssyncadd.s32 $0xFFFFFCF0  }
0x24: {  	[tilespmem:s21], [sflag:$0x1] =	stream.indirect.gather [hbm4b:s5+s20], $0x10, s3, s20, $0xb8;
	[tilespmem:$0x1F540] =	vst v63  }
0x25: {  	_ =	swait.ge [sflag:s24], $0x3100  }
0x26: {  	[sflag:s24] =	ssyncset.done $0x0  }
0x27: {  	[sflag:s24] =	ssyncadd.s32 $0xFFFFCF00  }
0x28: {  	[tilespmem:s20], [sflag:$0x3] =	stream.linear.gather [hbm4b:s13+s3], $0x310, $0x38;
	[tilespmem:$0x1F540] =	vst v63  }
0x29: {  	_ =	swait.ge [sflag:s18], $0x310  }
0x2a: {  	[sflag:s18] =	ssyncset.done $0x0  }
0x2b: {  	[sflag:s18] =	ssyncadd.s32 $0xFFFFFCF0  }
0x2c: {  	[tilespmem:s22], [sflag:$0x3] =	stream.linear.gather [hbm4b:s14+s3], $0x310, $0x38;
	[tilespmem:$0x1F540] =	vst v63  }
0x2d: {  	_ =	swait.ge [sflag:s18], $0x310  }
0x2e: {  	[sflag:s18] =	ssyncset.done $0x0  }
0x2f: {  	[sflag:s18] =	ssyncadd.s32 $0xFFFFFCF0  }
0x30: {  	[tilespmem:s23], [sflag:$0x1] =	stream.indirect.gather [hbm4b:s5+s20], $0x10, s20, s20, $0xb8;
	[tilespmem:$0x1F540] =	vst v63  }
0x31: {  	_ = 	snop  }
0x32: {  	[spmem:s2] =	stream.indirect.scatter.add.f32 [tilespmem:s21], [sflag:$0x2], $0x10, s19, s20, $0xb8;
	[tilespmem:$0x1F540] =	vst v63  }
0x33: {  	_ =	swait.ge [sflag:s24], $0x3100  }
0x34: {  	[sflag:s24] =	ssyncset.done $0x0  }
0x35: {  	[sflag:s24] =	ssyncadd.s32 $0xFFFFCF00  }
0x36: {  	s8 =	sand.u32 $0x1, s24;
	_ =	swait.ge [sflag:s26], $0x3100  }
0x37: {  	p1 =	seq.s32 s8, $0x1;
	[sflag:s26] =	ssyncset.done $0x0  }
0x38: {  	s0 =	simm.s32 @p1 $0x0;
	s1 =	simm.s32 @p1 $0x3;
	[sflag:s26] =	ssyncadd.s32 $0xFFFFCF00  }
0x39: {  	[tilespmem:s0], [sflag:$0x3] =	stream.linear.gather @p1 [hbm4b:s16+s0], $0x310, $0x38;
	[tilespmem:$0x1F540] =	vst v63  }
0x3a: {  	_ =	swait.ge @p1 [sflag:s1], $0x310  }
0x3b: {  	[sflag:s1] =	ssyncset.done @p1 $0x0  }
0x3c: {  	s4 =	simm.s32 @p1 $0x620;
	[sflag:s1] =	ssyncadd.s32 @p1 $0xFFFFFCF0  }
0x3d: {  	[tilespmem:s4], [sflag:$0x3] =	stream.linear.gather @p1 [hbm4b:s15+s0], $0x310, $0x38;
	[tilespmem:$0x1F540] =	vst v63  }
0x3e: {  	_ =	swait.ge @p1 [sflag:s1], $0x310  }
0x3f: {  	[sflag:s1] =	ssyncset.done @p1 $0x0  }
0x40: {  	s4 =	simm.s32 @p1 $0xC40;
	[sflag:s1] =	ssyncadd.s32 @p1 $0xFFFFFCF0;
	s1 =	simm.s32 @p1 $0x310  }
0x41: {  	[tilespmem:s4], [sflag:$0x1] =	stream.indirect.gather @p1 [hbm4b:s5+s1], $0x10, s0, s1, $0xb8;
	[tilespmem:$0x1F540] =	vst v63  }
0x42: {  	s0 =	simm.s32 @p1 $0x930;
	s4 =	simm.s32 @p1 $0x3D40  }
0x43: {  	[spmem:s2] =	stream.indirect.scatter.add.f32 @p1 [tilespmem:s4], [sflag:$0x2], $0x10, s0, s1, $0xb8;
	[tilespmem:$0x1F540] =	vst v63  }
0x44: {  	s1 =	simm.s32 @!p1 $0x0;
	s0 =	simm.s32 @!p1 $0x310;
	s4 =	simm.s32 @!p1 $0x3  }
0x45: {  	[tilespmem:s0], [sflag:$0x3] =	stream.linear.gather @!p1 [hbm4b:s16+s1], $0x310, $0x38;
	[tilespmem:$0x1F540] =	vst v63  }
0x46: {  	_ =	swait.ge @!p1 [sflag:s4], $0x310  }
0x47: {  	[sflag:s4] =	ssyncset.done @!p1 $0x0  }
0x48: {  	s29 =	simm.s32 @!p1 $0x930;
	[sflag:s4] =	ssyncadd.s32 @!p1 $0xFFFFFCF0  }
0x49: {  	[tilespmem:s29], [sflag:$0x3] =	stream.linear.gather @!p1 [hbm4b:s15+s1], $0x310, $0x38;
	[tilespmem:$0x1F540] =	vst v63  }
0x4a: {  	_ =	swait.ge @!p1 [sflag:s4], $0x310  }
0x4b: {  	s30 =	sadd.s32 $0x62, s16;
	[sflag:s4] =	ssyncset.done @!p1 $0x0  }
0x4c: {  	s31 =	sadd.s32 $0x62, s15;
	s1 =	simm.s32 @!p1 $0x3D40;
	[sflag:s4] =	ssyncadd.s32 @!p1 $0xFFFFFCF0  }
0x4d: {  	[tilespmem:s1], [sflag:$0x1] =	stream.indirect.gather @!p1 [hbm4b:s5+s0], $0x10, s0, s0, $0xb8;
	[tilespmem:$0x1F540] =	vst v63  }
0x4e: {  	s29 =	simm.s32 $0x2;
	s4 =	simm.s32 @!p1 $0x620;
	s1 =	simm.s32 @!p1 $0xC40  }
.LBB2_2:
0x4f: {  	[spmem:s2] =	stream.indirect.scatter.add.f32 @!p1 [tilespmem:s1], [sflag:$0x2], $0x10, s4, s0, $0xb8;
	[tilespmem:$0x1F540] =	vst v63  }
0x50: {  	s0 =	smov.u32 s29;
	s29 =	sadd.s32 $0x1, s29;
	_ =	swait.ge [sflag:s24], $0x3100  }
0x51: {  	p2 =	sne.s32 s29, $0x3F;
	[sflag:s24] =	ssyncset.done $0x0  }
0x52: {  	[sflag:s24] =	ssyncadd.s32 $0xFFFFCF00  }
0x53: {  	s0 =	sand.u32 $0x1, s0;
	_ =	swait.ge [sflag:s26], $0x3100  }
0x54: {  	p1 =	seq.s32 s0, $0x1;
	[sflag:s26] =	ssyncset.done $0x0  }
0x55: {  	s0 =	simm.s32 @p1 $0x0;
	s1 =	simm.s32 @p1 $0x3;
	[sflag:s26] =	ssyncadd.s32 $0xFFFFCF00  }
0x56: {  	[tilespmem:s0], [sflag:$0x3] =	stream.linear.gather @p1 [hbm4b:s30+s0], $0x310, $0x38;
	[tilespmem:$0x1F540] =	vst v63  }
0x57: {  	_ =	swait.ge @p1 [sflag:s1], $0x310  }
0x58: {  	[sflag:s1] =	ssyncset.done @p1 $0x0  }
0x59: {  	s4 =	simm.s32 @p1 $0x620;
	[sflag:s1] =	ssyncadd.s32 @p1 $0xFFFFFCF0  }
0x5a: {  	[tilespmem:s4], [sflag:$0x3] =	stream.linear.gather @p1 [hbm4b:s31+s0], $0x310, $0x38;
	[tilespmem:$0x1F540] =	vst v63  }
0x5b: {  	_ =	swait.ge @p1 [sflag:s1], $0x310  }
0x5c: {  	[sflag:s1] =	ssyncset.done @p1 $0x0  }
0x5d: {  	s4 =	simm.s32 @p1 $0xC40;
	[sflag:s1] =	ssyncadd.s32 @p1 $0xFFFFFCF0;
	s1 =	simm.s32 @p1 $0x310  }
0x5e: {  	[tilespmem:s4], [sflag:$0x1] =	stream.indirect.gather @p1 [hbm4b:s5+s1], $0x10, s0, s1, $0xb8;
	[tilespmem:$0x1F540] =	vst v63  }
0x5f: {  	s0 =	simm.s32 @p1 $0x930;
	s4 =	simm.s32 @p1 $0x3D40  }
0x60: {  	[spmem:s2] =	stream.indirect.scatter.add.f32 @p1 [tilespmem:s4], [sflag:$0x2], $0x10, s0, s1, $0xb8;
	[tilespmem:$0x1F540] =	vst v63  }
0x61: {  	s1 =	simm.s32 @!p1 $0x0;
	s0 =	simm.s32 @!p1 $0x310;
	s4 =	simm.s32 @!p1 $0x3  }
0x62: {  	[tilespmem:s0], [sflag:$0x3] =	stream.linear.gather @!p1 [hbm4b:s30+s1], $0x310, $0x38;
	[tilespmem:$0x1F540] =	vst v63  }
0x63: {  	_ =	swait.ge @!p1 [sflag:s4], $0x310  }
0x64: {  	[sflag:s4] =	ssyncset.done @!p1 $0x0  }
0x65: {  	s8 =	simm.s32 @!p1 $0x930;
	[sflag:s4] =	ssyncadd.s32 @!p1 $0xFFFFFCF0  }
0x66: {  	[tilespmem:s8], [sflag:$0x3] =	stream.linear.gather @!p1 [hbm4b:s31+s1], $0x310, $0x38;
	[tilespmem:$0x1F540] =	vst v63  }
.Ltmp0:
0x67: {  	_ =	swait.ge @!p1 [sflag:s4], $0x310;
	(pc) =	sbr.rel @p2 .LBB2_2-.Ltmp0, $4  }
0x68: {  	[sflag:s4] =	ssyncset.done @!p1 $0x0  }
0x69: {  	s30 =	sadd.s32 $0x62, s30;
	s1 =	simm.s32 @!p1 $0x3D40;
	[sflag:s4] =	ssyncadd.s32 @!p1 $0xFFFFFCF0  }
0x6a: {  	[tilespmem:s1], [sflag:$0x1] =	stream.indirect.gather @!p1 [hbm4b:s5+s0], $0x10, s0, s0, $0xb8;
	[tilespmem:$0x1F540] =	vst v63  }
0x6b: {  	s31 =	sadd.s32 $0x62, s31;
	s4 =	simm.s32 @!p1 $0x620;
	s1 =	simm.s32 @!p1 $0xC40  }
0x6c: {  	[spmem:s2] =	stream.indirect.scatter.add.f32 @!p1 [tilespmem:s1], [sflag:$0x2], $0x10, s4, s0, $0xb8;
	[tilespmem:$0x1F540] =	vst v63  }
0x6d: {  	_ =	swait.ge [sflag:s24], $0x3100  }
0x6e: {  	[sflag:s24] =	ssyncset.done $0x0  }
0x6f: {  	[sflag:s24] =	ssyncadd.s32 $0xFFFFCF00  }
0x70: {  	_ =	swait.ge [sflag:s26], $0x3100  }
0x71: {  	[sflag:s26] =	ssyncset.done $0x0  }
0x72: {  	[sflag:s26] =	ssyncadd.s32 $0xFFFFCF00  }
0x73: {  	[spmem:s2] =	stream.indirect.scatter.add.f32 [tilespmem:s23], [sflag:$0x2], $0x10, s22, s20, $0xb8;
	[tilespmem:$0x1F540] =	vst v63  }
0x74: {  	_ =	swait.ge [sflag:s26], $0x3100  }
0x75: {  	[sflag:s26] =	ssyncset.done $0x0  }
0x76: {  	[sflag:s26] =	ssyncadd.s32 $0xFFFFCF00  }
0x77: {  	s0 =	simm.s32 @p0 $0x3;
	[bflag:$0x0] =	sbarrier.arrive $0xFFFF  }
0x78: {  	[hbm:s11], [sflag:s7] =	dma.local @p0 [spmem:s25], $0x3020  }
0x79: {  	_ =	swait.ge @p0 [sflag:s0], $0x3020  }
0x7a: {  	s28 =	sadd.s32 $0x1, s28;
	[sflag:s0] =	ssyncset.done @p0 $0x0  }
0x7b: {  	p1 =	sne.s32 s28, s12;
	[sflag:s0] =	ssyncadd.s32 @p0 $0xFFFFCFE0;
	s0 =	sshrl.u32 @!p0 s6, $0x3  }
0x7c: {  	[hbm:s10], [sflag:s7] =	dma.local @!p0 [spmem:s0], $0x30E0  }
.Ltmp1:
0x7d: {  	_ = 	snop;
	(pc) =	sbr.rel @p1 .LBB2_1-.Ltmp1, $4  }
0x7e: {  	s0 =	simm.s32 @!p0 $0x3  }
0x7f: {  	_ =	swait.ge @!p0 [sflag:s0], $0x30E0  }
0x80: {  	[sflag:s0] =	ssyncset.done @!p0 $0x0  }
0x81: {  	[sflag:s0] =	ssyncadd.s32 @!p0 $0xFFFFCF20  }
0x82: {  	_ =	sfence.sel $0x180000  }
0x83: {  	[bflag:$0x0] =	sbarrier.arrive $0xFFFF  }
0x84: {  	_ =	strace $0x9000004D  }
0x85: {  	s0 =	stileid.u32;
	[bflag:$0x2] =	sbarrier.arrive $0xFFFF  }
0x86: {  	p0 =	sne.s32 s0, $0x0;
	s0 =	rddreg [dreg:$0x3]  }
0x87: {  	s0 =	sadd.s32 @!p0 $0x100000, s0  }
0x88: {  	[sflag:s0] =	ssyncadd.tile.s32 @!p0 $0x1;
	_ =	shalt  }
.Lfunc_end2:
_tile_overlayer_lowered:
.L_overlay_start_2:
0x89: {  	(tag) =	ssettag $0x2  }
0x8a: {  	s0 =	rddreg [dreg:$0x0];
	s2 =	stileid.u32  }
0x8b: {  	s1 =	rddreg [dreg:$0x1];
	p0 =	sne.s32 s2, $0x0  }
0x8c: {  	s3 =	rddreg [dreg:$0x2];
	[bflag:$0x3] =	sbarrier.arrive $0xFFFF;
	s2 =	simm.s32 @!p0 $0x1C03  }
0x8d: {  	[timem:s3], [sflag:s2] =	dma.local @!p0 [hbm:s0], s1  }
0x8e: {  	s0 =	simm.s32 @!p0 $0x3  }
0x8f: {  	_ =	swait.ge @!p0 [sflag:s0], s1  }
0x90: {  	s1 =	ssub.s32 @!p0 $0x0, s1;
	[sflag:s0] =	ssyncset.done @!p0 $0x0  }
0x91: {  	[sflag:s0] =	ssyncadd.s32 @!p0 s1  }
0x92: {  	[bflag:$0x3] =	sbarrier.arrive $0xFFFF  }
0x93: {  	_ =	shalt  }

// kernel: kernel.9.cloned.1.call-start
scs
__scs_entry_jumppad:
0x0: {  	(pc) =	sbr.rel $0x88, $3  }
0x1: {  	(tag) =	ssettag $0x0;
	lr =	simm.s32 $0x1  }
0x2: {  	[smem:$0x3F9B] =	sst lr;
	_ =	strace $0xD0000000  }
0x3: {  	_ = 	snop  }
0x4: {  	_ = 	snop  }
0x5: {  	_ = 	snop  }
0x6: {  	_ = 	snop  }
0x7: {  	_ = 	snop  }
__scs_overlays_trampoline_lowered:
0x8: {  	[smem:$0x3FAA] =	sst s0  }
0x9: {  	[smem:$0x3FAB] =	sst s1  }
0xa: {  	[smem:$0x3FAC] =	sst s2  }
0xb: {  	[smem:$0x3FAD] =	sst s3  }
0xc: {  	[smem:$0x3FAE] =	sst s4  }
0xd: {  	[smem:$0x3FAF] =	sst s5  }
0xe: {  	[smem:$0x3FB0] =	sst s6  }
0xf: {  	[smem:$0x3FB1] =	sst s7  }
0x10: {  	[smem:$0x3FB2] =	sst s8  }
0x11: {  	[smem:$0x3FB3] =	sst s9;
	s0 =	simm.s32 @!p0 $0x0  }
0x12: {  	s1 =	sld [smem:$0x3F99];
	s0 =	simm.s32 @p0 $0x1  }
0x13: {  	[smem:$0x3FB4] =	sst s0;
	s0 =	simm.s32 @!p1 $0x0  }
0x14: {  	s2 =	sld [smem:$0x3F98];
	s0 =	simm.s32 @p1 $0x1  }
0x15: {  	[smem:$0x3FB5] =	sst s0;
	s0 =	simm.s32 @!p2 $0x0  }
0x16: {  	s3 =	sld [smem:$0x3FDB];
	s0 =	simm.s32 @p2 $0x1  }
0x17: {  	s4 =	simm.s32 $0x1BF5;
	[smem:$0x3FB7] =	sst s0  }
0x18: {  	s0 =	sld [smem:$0x3F9A];
	_ =	swait.ge [sflag:s4], $0x0  }
0x19: {  	s7 =	sld [smem:$0x3F9B]  }
0x1a: {  	s8 =	sadd.s32 $0xFFFFE003, lr  }
0x1b: {  	s9 =	sadd.s32 $0xFFFFFEF7, lr;
	s5 =	simm.s32 $0xFFFFFFFF;
	p2 =	slt.u32 s8, $0xFFFFF086  }
0x1c: {  	p1 =	slt.u32 s9, $0xF7A;
	s5 =	simm.s32 @!p2 $0x0  }
0x1d: {  	s5 =	simm.s32 @p1 $0x1;
	p0 =	seq.s32 s7, s2  }
0x1e: {  	s7 =	smul.u32 @!p0 $0xF7A, s2;
	p2 =	seq.s32 @!p0 s5, $0x0  }
0x1f: {  	s9 =	smul.u32 $0xF7A, s1;
	s8 =	simm.s32 @!p0 $0x1BF5;
	p2 =	por !p2, p0  }
0x20: {  	[sflag:s8] =	ssyncset.s32 @!p0 $0xFFFFF086;
	s6 =	sadd.s32 @!p0 s3, s7;
	s7 =	simm.s32 @!p0 $0x108  }
0x21: {  	s3 =	sadd.s32 s3, s9;
	s6 =	sadd.s32 @!p0 $0x88, s6;
	s7 =	simm.s32 @p2 $0x1082  }
0x22: {  	[simem:s7], [sflag:s8] =	dma.local @!p0 [hbm:s6], $0xF7A  }
0x23: {  	s9 =	sor.u32 $0xD0000000, s2;
	s6 =	simm.s32 $0x108;
	_ =	swait.ge @!p0 [sflag:s8], $0x0  }
0x24: {  	s3 =	sadd.s32 $0x88, s3;
	s6 =	simm.s32 @!p1 $0x1082;
	[sflag:s4] =	ssyncset.s32 $0xFFFFF086  }
0x25: {  	[simem:s6], [sflag:s4] =	dma.local [hbm:s3], $0xF7A  }
0x26: {  	[smem:$0x3F9B] =	sst s1;
	(tag) =	ssettag s2;
	_ =	strace s9  }
0x27: {  	s1 =	sld [smem:$0x3FAB]  }
0x28: {  	s2 =	sld [smem:$0x3FAC]  }
0x29: {  	s4 =	sld [smem:$0x3FAE]  }
0x2a: {  	p0 =	seq.s32 s5, $0x0;
	s5 =	sld [smem:$0x3FAF]  }
0x2b: {  	s6 =	sld [smem:$0x3FB0]  }
0x2c: {  	s7 =	sld [smem:$0x3FB1]  }
0x2d: {  	s3 =	simm.s32 $0x108;
	s8 =	sld [smem:$0x3FB2]  }
0x2e: {  	s3 =	simm.s32 @!p0 $0x1082;
	s9 =	sld [smem:$0x3FB3]  }
0x2f: {  	lr =	sadd.s32 s0, s3;
	s0 =	sld [smem:$0x3FAA]  }
0x30: {  	s3 =	sld [smem:$0x3FAD]  }
0x31: {  	[smem:$0x3FB6] =	sst s10  }
0x32: {  	s10 =	sld [smem:$0x3FB4];
	_ =	sdelay $0x3  }
0x33: {  	p0 =	seq.s32 s10, $0x1;
	s10 =	sld [smem:$0x3FB6];
	_ =	sdelay $0x3  }
0x34: {  	[smem:$0x3FB6] =	sst s10  }
0x35: {  	s10 =	sld [smem:$0x3FB5];
	_ =	sdelay $0x3  }
0x36: {  	p1 =	seq.s32 s10, $0x1;
	s10 =	sld [smem:$0x3FB6];
	_ =	sdelay $0x3  }
0x37: {  	[smem:$0x3FB6] =	sst s10  }
0x38: {  	s10 =	sld [smem:$0x3FB7]  }
0x39: {  	_ = 	snop;
	(pc) =	sbr.ind lr, $3  }
0x3a: {  	_ = 	snop  }
0x3b: {  	_ = 	snop  }
0x3c: {  	p2 =	seq.s32 s10, $0x1;
	s10 =	sld [smem:$0x3FB6]  }
0x3d: {  	_ =	shalt  }
0x3e: {  	_ =	shalt  }
0x3f: {  	_ =	shalt  }
0x40: {  	_ =	shalt  }
0x41: {  	_ =	shalt  }
0x42: {  	_ =	shalt  }
0x43: {  	_ =	shalt  }
0x44: {  	_ =	shalt  }
0x45: {  	_ =	shalt  }
0x46: {  	_ =	shalt  }
0x47: {  	_ =	shalt  }
0x48: {  	_ =	shalt  }
0x49: {  	_ =	shalt  }
0x4a: {  	_ =	shalt  }
0x4b: {  	_ =	shalt  }
0x4c: {  	_ =	shalt  }
0x4d: {  	_ =	shalt  }
0x4e: {  	_ =	shalt  }
0x4f: {  	_ =	shalt  }
0x50: {  	_ =	shalt  }
0x51: {  	_ =	shalt  }
0x52: {  	_ =	shalt  }
0x53: {  	_ =	shalt  }
0x54: {  	_ =	shalt  }
0x55: {  	_ =	shalt  }
0x56: {  	_ =	shalt  }
0x57: {  	_ =	shalt  }
0x58: {  	_ =	shalt  }
0x59: {  	_ =	shalt  }
0x5a: {  	_ =	shalt  }
0x5b: {  	_ =	shalt  }
0x5c: {  	_ =	shalt  }
0x5d: {  	_ =	shalt  }
0x5e: {  	_ =	shalt  }
0x5f: {  	_ =	shalt  }
0x60: {  	_ =	shalt  }
0x61: {  	_ =	shalt  }
0x62: {  	_ =	shalt  }
0x63: {  	_ =	shalt  }
0x64: {  	_ =	shalt  }
0x65: {  	_ =	shalt  }
0x66: {  	_ =	shalt  }
0x67: {  	_ =	shalt  }
0x68: {  	_ =	shalt  }
0x69: {  	_ =	shalt  }
0x6a: {  	_ =	shalt  }
0x6b: {  	_ =	shalt  }
0x6c: {  	_ =	shalt  }
0x6d: {  	_ =	shalt  }
0x6e: {  	_ =	shalt  }
0x6f: {  	_ =	shalt  }
0x70: {  	_ =	shalt  }
0x71: {  	_ =	shalt  }
0x72: {  	_ =	shalt  }
0x73: {  	_ =	shalt  }
0x74: {  	_ =	shalt  }
0x75: {  	_ =	shalt  }
0x76: {  	_ =	shalt  }
0x77: {  	_ =	shalt  }
0x78: {  	_ =	shalt  }
0x79: {  	_ =	shalt  }
0x7a: {  	_ =	shalt  }
0x7b: {  	_ =	shalt  }
0x7c: {  	_ =	shalt  }
0x7d: {  	_ =	shalt  }
0x7e: {  	_ =	shalt  }
0x7f: {  	_ =	shalt  }
0x80: {  	_ =	shalt  }
0x81: {  	_ =	shalt  }
0x82: {  	_ =	shalt  }
0x83: {  	_ =	shalt  }
0x84: {  	_ =	shalt  }
0x85: {  	_ =	shalt  }
0x86: {  	_ =	shalt  }
0x87: {  	_ =	shalt  }
.Lfunc_end0:
.L_simem_size_0:
called_computation_lowered:
.L_overlay_start_0:
0x88: {  	s2 =	sld [smem:$0x3FD9]  }
0x89: {  	s3 =	sld [smem:$0x3FFE];
	_ =	sdelay $0x1  }
0x8a: {  	s1 =	srdreg.scid  }
0x8b: {  	s0 =	sand.u32 $0x1, s1  }
0x8c: {  	s17 =	sshll.u32 s0, $0xA;
	s2 =	sadd.s32 s3, s2  }
0x8d: {  	s2 =	sadd.s32 s2, s17  }
0x8e: {  	[smem:$0x3FC2] =	sst s2  }
0x8f: {  	_ = 	snop  }
0x90: {  	s2 =	sld [smem:$0x3FD0];
	(tm) =	ssettm $0x1  }
0x91: {  	s18 =	sld [smem:$0x3FFB];
	_ =	sdelay $0x3  }
0x92: {  	_ =	strace s18  }
0x93: {  	s3 =	sld [smem:$0x3FFC];
	_ =	sdelay $0x3  }
0x94: {  	_ =	strace s3  }
0x95: {  	s3 =	sld [smem:$0x3FFD];
	_ =	sdelay $0x3  }
0x96: {  	_ =	strace s3  }
0x97: {  	_ =	strace $0x8FFFFFFF  }
0x98: {  	s19 =	sld [smem:$0x3FDB];
	_ =	sdelay $0x1  }
0x99: {  	s4 =	simm.s32 $_scs_section_size  }
0x9a: {  	s5 =	simm.s32 $_size__tile_overlayer_lowered;
	s6 =	simm.s32 $_tile_overlayer_lowered  }
0x9b: {  	s22 =	simm.s32 $0x1BFF;
	s21 =	sshll.u32 s6, $0x1;
	s3 =	sadd.s32 s4, s19  }
0x9c: {  	s7 =	simm.s32 $0x0;
	s20 =	sshll.u32 s5, $0x1;
	s5 =	sadd.s32 s21, s3  }
0x9d: {  	[timem:s7], [sflag:s22] =	dma.local [hbm:s5], s20  }
0x9e: {  	_ =	swait.ge [sflag:s22], s20  }
0x9f: {  	s4 =	ssub.s32 $0x0, s20;
	[sflag:s22] =	ssyncset.done $0x0  }
0xa0: {  	[sflag:s22] =	ssyncadd.s32 s4;
	_ =	sdelay $0x1  }
0xa1: {  	s23 =	simm.s32 $0x1B8B  }
0xa2: {  	_ =	swait.ge [sflag:s23], $0x1  }
0xa3: {  	[sflag:s23] =	ssyncset.done $0x0  }
0xa4: {  	s25 =	simm.s32 $0x1B8E;
	s24 =	sld [smem:$0x3FFE];
	[sflag:s23] =	ssyncadd.s32 $0xFFFFFFFF  }
0xa5: {  	s26 =	simm.s32 $execute0_lowered;
	[smem:$0x3FD2] =	sst s25  }
0xa6: {  	s5 =	sshll.u32 s26, $0x1;
	_ =	strace $0x80000046;
	[dreg:$0x1] =	wrdreg $0xFFFFFFFF  }
0xa7: {  	s28 =	simm.s32 $_size_execute0_lowered;
	s3 =	sadd.s32 s3, s5;
	[dreg:$0x0] =	wrdreg $0x0  }
0xa8: {  	s5 =	sshll.u32 s28, $0x1;
	[dreg:$0x2] =	wrdreg s3  }
0xa9: {  	[dreg:$0x3] =	wrdreg s5  }
0xaa: {  	[dreg:$0x4] =	wrdreg $0xC0  }
0xab: {  	_ =	task [dreg:s7], $0x5FFFF  }
0xac: {  	[dreg:$0x1] =	wrdreg $0xFFFFFFFF  }
0xad: {  	[dreg:$0x0] =	wrdreg $0x60  }
0xae: {  	[dreg:$0x2] =	wrdreg s24  }
0xaf: {  	[dreg:$0x3] =	wrdreg s2  }
0xb0: {  	[dreg:$0x4] =	wrdreg $0x9300  }
0xb1: {  	[dreg:$0x5] =	wrdreg $0x9  }
0xb2: {  	_ =	task.clear_ibuf [dreg:s7], $0x6FFFF;
	_ =	strace $0x90000046  }
0xb3: {  	s29 =	simm.s32 $0x9;
	_ =	strace $0x80000048  }
0xb4: {  	_ =	swait.ge [sflag:s29], $0x1  }
0xb5: {  	[sflag:s29] =	ssyncadd.s32 $0xFFFFFFFF  }
0xb6: {  	_ =	strace $0x90000048  }
0xb7: {  	_ =	sfence  }
0xb8: {  	s30 =	sld [smem:$0x0];
	_ =	sdelay $0x2  }
0xb9: {  	s31 =	sshll.u32 s1, $0xD;
	s1 =	sshrl.u32 s1, $0x2  }
0xba: {  	s3 =	sand.u32 $0x4000, s31;
	s1 =	sadd.s32 s1, s30  }
0xbb: {  	s0 =	sor.u32 s3, s0;
	s1 =	sshll.u32 s1, $0x11  }
0xbc: {  	s0 =	sor.u32 s1, s0  }
0xbd: {  	s0 =	sadd.s32 $0x8F2B, s0  }
0xbe: {  	[sflag:s0] =	ssyncadd.remote.s32 $0x1  }
0xbf: {  	_ =	sfence.sel $0xFFFF  }
0xc0: {  	[dreg:$0x0] =	wrdreg $0xFFFFFFFF;
	(pc) =	sbr.abs _section_cstart, $3  }
0xc1: {  	[dreg:$0x1] =	wrdreg $0xFFFFFFFF  }
0xc2: {  	_ =	task.clear_ibuf [dreg:s7], $0x2FFFF;
	_ =	strace $0x9FFFFFFF  }
0xc3: {  	(tm) =	ssettm $0x7FFFFFFF  }
tec
execute0_lowered:
.L_overlay_start_1:
0x0: {  	(tag) =	ssettag $0x1  }
0x1: {  	s4 =	rddreg [dreg:$0x0]  }
0x2: {  	s7 =	rddreg [dreg:$0x1]  }
0x3: {  	s1 =	rddreg [dreg:$0x2]  }
0x4: {  	s2 =	srdreg.scid;
	s0 =	rddreg [dreg:$0x3]  }
0x5: {  	s3 =	simm.s32 $0x0;
	s5 =	sand.u32 $0x1, s2;
	s2 =	stileid.u32  }
0x6: {  	[smem:$0x7FF] =	sst s3;
	s8 =	smul.u32 $0x1880, s2  }
0x7: {  	s9 =	sadd.s32 $0x800, s4;
	s6 =	sshll.u32 s5, $0x4;
	s13 =	smul.u32 $0xC4000, s5  }
0x8: {  	_ =	strace $0x80000047;
	s10 =	ssub.s32 $0x2, s5;
	s30 =	smul.u32 $0xC400, s2  }
0x9: {  	s14 =	sshll.u32 s2, $0x6;
	s15 =	smul.u32 $0x18800, s5;
	s6 =	sor.u32 s2, s6  }
0xa: {  	s12 =	sshrl.u32 s10, $0x1;
	s5 =	sor.u32 $0x1C02, s14;
	s14 =	simm.s32 $0x1  }
0xb: {  	s6 =	smul.u32 $0xC400, s6;
	s11 =	sshrl.u32 s8, $0x3;
	s10 =	ssub.s32 s10, s12  }
0xc: {  	s31 =	sadd.s32 s8, s1;
	s8 =	sadd.s32 s8, s15;
	s12 =	simm.s32 $0x310  }
0xd: {  	s15 =	simm.s32 $0x0;
	s4 =	sadd.s32 s11, s4;
	s11 =	sadd.s32 s30, s13  }
0xe: {  	s8 =	sshrl.u32 s8, $0x3;
	s13 =	simm.s32 $0x620;
	s4 =	sadd.s32 $0x31800, s4  }
0xf: {  	s6 =	sshrl.u32 s6, $0x3;
	s11 =	sor.u32 $0x310, s11;
	s7 =	sadd.s32 s7, s8  }
0x10: {  	s8 =	smax.u32 s10, $0x1;
	s10 =	sshrl.u32 s31, $0x3;
	s11 =	sshrl.u32 s11, $0x3  }
0x11: {  	v0 =	vimm.f32 $1.000000000e+00;
	s6 =	sadd.s32 s9, s6;
	s9 =	sadd.s32 s11, s9;
	s11 =	simm.s32 $0x2  }
.LBB2_1:
0x12: {  	[spmem:s10], [sflag:s5] =	dma.local [hbm:s4], $0x310  }
0x13: {  	_ =	swait.ge [sflag:s11], $0x310  }
0x14: {  	[sflag:s11] =	ssyncset.done $0x0  }
0x15: {  	[sflag:s11] =	ssyncadd.s32 $0xFFFFFCF0  }
0x16: {  	[tilespmem:$0x620] =	vst v0  }
0x17: {  	[tilespmem:$0x630] =	vst v0  }
0x18: {  	[tilespmem:$0x640] =	vst v0  }
0x19: {  	[tilespmem:$0x650] =	vst v0  }
0x1a: {  	[tilespmem:$0x660] =	vst v0  }
0x1b: {  	[tilespmem:$0x670] =	vst v0  }
0x1c: {  	[tilespmem:$0x680] =	vst v0  }
0x1d: {  	[tilespmem:$0x690] =	vst v0  }
0x1e: {  	[tilespmem:$0x6A0] =	vst v0  }
0x1f: {  	[tilespmem:$0x6B0] =	vst v0  }
0x20: {  	[tilespmem:$0x6C0] =	vst v0  }
0x21: {  	[tilespmem:$0x6D0] =	vst v0  }
0x22: {  	[tilespmem:$0x6E0] =	vst v0  }
0x23: {  	[tilespmem:$0x6F0] =	vst v0  }
0x24: {  	[tilespmem:$0x700] =	vst v0  }
0x25: {  	[tilespmem:$0x710] =	vst v0  }
0x26: {  	[tilespmem:$0x720] =	vst v0  }
0x27: {  	[tilespmem:$0x730] =	vst v0  }
0x28: {  	[tilespmem:$0x740] =	vst v0  }
0x29: {  	[tilespmem:$0x750] =	vst v0  }
0x2a: {  	[tilespmem:$0x760] =	vst v0  }
0x2b: {  	[tilespmem:$0x770] =	vst v0  }
0x2c: {  	[tilespmem:$0x780] =	vst v0  }
0x2d: {  	[tilespmem:$0x790] =	vst v0  }
0x2e: {  	[tilespmem:$0x7A0] =	vst v0  }
0x2f: {  	[tilespmem:$0x7B0] =	vst v0  }
0x30: {  	[tilespmem:$0x7C0] =	vst v0  }
0x31: {  	[tilespmem:$0x7D0] =	vst v0  }
0x32: {  	[tilespmem:$0x7E0] =	vst v0  }
0x33: {  	[tilespmem:$0x7F0] =	vst v0  }
0x34: {  	[tilespmem:$0x800] =	vst v0  }
0x35: {  	[tilespmem:$0x810] =	vst v0  }
0x36: {  	[tilespmem:$0x820] =	vst v0  }
0x37: {  	[tilespmem:$0x830] =	vst v0  }
0x38: {  	[tilespmem:$0x840] =	vst v0  }
0x39: {  	[tilespmem:$0x850] =	vst v0  }
0x3a: {  	[tilespmem:$0x860] =	vst v0  }
0x3b: {  	[tilespmem:$0x870] =	vst v0  }
0x3c: {  	[tilespmem:$0x880] =	vst v0  }
0x3d: {  	[tilespmem:$0x890] =	vst v0  }
0x3e: {  	[tilespmem:$0x8A0] =	vst v0  }
0x3f: {  	[tilespmem:$0x8B0] =	vst v0  }
0x40: {  	[tilespmem:$0x8C0] =	vst v0  }
0x41: {  	[tilespmem:$0x8D0] =	vst v0  }
0x42: {  	[tilespmem:$0x8E0] =	vst v0  }
0x43: {  	[tilespmem:$0x8F0] =	vst v0  }
0x44: {  	[tilespmem:$0x900] =	vst v0  }
0x45: {  	[tilespmem:$0x910] =	vst v0  }
0x46: {  	[tilespmem:$0x920] =	vst v0  }
0x47: {  	[bflag:$0x0] =	sbarrier.arrive $0xFFFF  }
0x48: {  	[tilespmem:s3], [sflag:$0x2] =	stream.linear.gather [hbm4b:s6+s3], $0x310, $0x38;
	[tilespmem:$0x21B0] =	vst v63  }
0x49: {  	s16 =	sand.u32 $0x1, s3;
	_ =	swait.ge [sflag:s11], $0x310  }
0x4a: {  	p0 =	seq.s32 s16, $0x1;
	s16 =	simm.s32 $0x310;
	[sflag:s11] =	ssyncset.done $0x0  }
0x4b: {  	s16 =	simm.s32 @!p0 $0x0;
	[sflag:s11] =	ssyncadd.s32 $0xFFFFFCF0  }
0x4c: {  	[spmem:s1] =	stream.indirect.scatter.add.f32 [tilespmem:s13], [sflag:$0x1], $0x1, s16, s12, $0xb8;
	[tilespmem:$0x21B0] =	vst v63  }
0x4d: {  	s16 =	simm.s32 $0x0  }
0x4e: {  	s16 =	simm.s32 @!p0 $0x310  }
0x4f: {  	[tilespmem:s16], [sflag:$0x2] =	stream.linear.gather [hbm4b:s9+s3], $0x310, $0x38;
	[tilespmem:$0x21B0] =	vst v63  }
0x50: {  	_ =	swait.ge [sflag:s11], $0x310  }
0x51: {  	[sflag:s11] =	ssyncset.done $0x0  }
0x52: {  	s31 =	simm.s32 $0x1;
	[sflag:s11] =	ssyncadd.s32 $0xFFFFFCF0  }
0x53: {  	s17 =	simm.s32 $0x2;
	s16 =	sand.u32 $0x1, s31;
	_ =	swait.ge [sflag:s14], $0x310  }
0x54: {  	p0 =	seq.s32 s16, $0x1;
	s16 =	sadd.s32 $0x62, s9;
	[sflag:s14] =	ssyncset.done $0x0  }
.LBB2_2:
0x55: {  	s18 =	simm.s32 $0x310  }
0x56: {  	[sflag:s14] =	ssyncadd.s32 $0xFFFFFCF0;
	s19 =	smov.u32 s17;
	s20 =	sadd.s32 $0x1, s17  }
0x57: {  	p1 =	sne.s32 s17, $0x3E;
	s17 =	simm.s32 $0x0;
	s18 =	simm.s32 @!p0 $0x0  }
0x58: {  	[spmem:s1] =	stream.indirect.scatter.add.f32 [tilespmem:s13], [sflag:$0x1], $0x1, s18, s12, $0xb8;
	[tilespmem:$0x21B0] =	vst v63  }
0x59: {  	s17 =	simm.s32 @!p0 $0x310  }
0x5a: {  	[tilespmem:s17], [sflag:$0x2] =	stream.linear.gather [hbm4b:s16+s3], $0x310, $0x38;
	[tilespmem:$0x21B0] =	vst v63  }
.Ltmp0:
0x5b: {  	_ =	swait.ge [sflag:s11], $0x310;
	(pc) =	sbr.rel @p1 .LBB2_2-.Ltmp0, $4  }
0x5c: {  	[sflag:s11] =	ssyncset.done $0x0  }
0x5d: {  	[sflag:s11] =	ssyncadd.s32 $0xFFFFFCF0  }
0x5e: {  	s17 =	sand.u32 $0x1, s19;
	s16 =	sadd.s32 $0x62, s16;
	_ =	swait.ge [sflag:s14], $0x310  }
0x5f: {  	p0 =	seq.s32 s17, $0x1;
	s17 =	smov.u32 s20;
	[sflag:s14] =	ssyncset.done $0x0  }
0x60: {  	s17 =	simm.s32 $0x310  }
0x61: {  	[sflag:s14] =	ssyncadd.s32 $0xFFFFFCF0;
	s17 =	simm.s32 @!p0 $0x0  }
0x62: {  	[spmem:s1] =	stream.indirect.scatter.add.f32 [tilespmem:s13], [sflag:$0x1], $0x1, s17, s12, $0xb8;
	[tilespmem:$0x21B0] =	vst v63  }
0x63: {  	s17 =	simm.s32 $0x0  }
0x64: {  	s17 =	simm.s32 @!p0 $0x310  }
0x65: {  	[tilespmem:s17], [sflag:$0x2] =	stream.linear.gather [hbm4b:s16+s3], $0x310, $0x38;
	[tilespmem:$0x21B0] =	vst v63  }
0x66: {  	_ =	swait.ge [sflag:s11], $0x310  }
0x67: {  	[sflag:s11] =	ssyncset.done $0x0  }
0x68: {  	[sflag:s11] =	ssyncadd.s32 $0xFFFFFCF0  }
0x69: {  	_ =	swait.ge [sflag:s14], $0x310  }
0x6a: {  	[sflag:s14] =	ssyncset.done $0x0  }
0x6b: {  	[sflag:s14] =	ssyncadd.s32 $0xFFFFFCF0  }
0x6c: {  	[spmem:s1] =	stream.indirect.scatter.add.f32 [tilespmem:s13], [sflag:$0x1], $0x1, s12, s12, $0xb8;
	[tilespmem:$0x21B0] =	vst v63  }
0x6d: {  	_ =	swait.ge [sflag:s14], $0x310  }
0x6e: {  	s15 =	sadd.s32 $0x1, s15;
	[sflag:s14] =	ssyncset.done $0x0  }
0x6f: {  	p0 =	sne.s32 s15, s8;
	[sflag:s14] =	ssyncadd.s32 $0xFFFFFCF0  }
.Ltmp1:
0x70: {  	[bflag:$0x0] =	sbarrier.arrive $0xFFFF;
	(pc) =	sbr.rel @p0 .LBB2_1-.Ltmp1, $4  }
0x71: {  	[hbm:s7], [sflag:s5] =	dma.local [spmem:s10], $0x310  }
0x72: {  	_ =	swait.ge [sflag:s11], $0x310  }
0x73: {  	[sflag:s11] =	ssyncset.done $0x0  }
0x74: {  	[sflag:s11] =	ssyncadd.s32 $0xFFFFFCF0  }
0x75: {  	_ =	sfence.sel $0x180000  }
0x76: {  	[bflag:$0x0] =	sbarrier.arrive $0xFFFF  }
0x77: {  	p0 =	sne.s32 s2, $0x0;
	_ =	strace $0x90000047  }
0x78: {  	s0 =	sadd.s32 @!p0 $0x100000, s0;
	[bflag:$0x2] =	sbarrier.arrive $0xFFFF  }
0x79: {  	[sflag:s0] =	ssyncadd.tile.s32 @!p0 $0x1;
	_ =	shalt  }
.Lfunc_end2:
_tile_overlayer_lowered:
.L_overlay_start_2:
0x7a: {  	(tag) =	ssettag $0x2  }
0x7b: {  	s0 =	rddreg [dreg:$0x0];
	s2 =	stileid.u32  }
0x7c: {  	s1 =	rddreg [dreg:$0x1];
	p0 =	sne.s32 s2, $0x0  }
0x7d: {  	s3 =	rddreg [dreg:$0x2];
	[bflag:$0x3] =	sbarrier.arrive $0xFFFF;
	s2 =	simm.s32 @!p0 $0x1C02  }
0x7e: {  	[timem:s3], [sflag:s2] =	dma.local @!p0 [hbm:s0], s1  }
0x7f: {  	s0 =	simm.s32 @!p0 $0x2  }
0x80: {  	_ =	swait.ge @!p0 [sflag:s0], s1  }
0x81: {  	s1 =	ssub.s32 @!p0 $0x0, s1;
	[sflag:s0] =	ssyncset.done @!p0 $0x0  }
0x82: {  	[sflag:s0] =	ssyncadd.s32 @!p0 s1  }
0x83: {  	[bflag:$0x3] =	sbarrier.arrive $0xFFFF  }
0x84: {  	_ =	shalt  }

</sc_bundles>
